<compile_context>
chip_gen: v7x
topology: tpu7x:2x2x1
jax: 0.10.2.dev20260603
libtpu: 0.0.44.dev20260713+nightly
codegen_flags: <defaults>
</compile_context>

<pallas_src>
import dataclasses
import functools

import jax
import jax.numpy as jnp
from jax import lax
from jax.experimental import pallas as pl
from jax.experimental.pallas import tpu as pltpu
from jax.experimental.pallas import tpu_sc as plsc

NUM_CORES = 2
NUM_SUBCORES = 16
NUM_WORKERS = NUM_CORES * NUM_SUBCORES
CHUNK = 128

_SC_PARAMS = pltpu.CompilerParams()
if "needs_layout_passes" in pltpu.CompilerParams.__dataclass_fields__:
    _SC_PARAMS = dataclasses.replace(_SC_PARAMS, needs_layout_passes=False)


def _sc_degree(dst2d, np_pad):
    rows, chunk = dst2d.shape
    rows_per_w = rows // NUM_WORKERS
    npr = np_pad // 128
    mesh = plsc.VectorSubcoreMesh(core_axis_name="c", subcore_axis_name="s")

    @functools.partial(
        pl.kernel,
        out_type=jax.ShapeDtypeStruct((NUM_WORKERS, npr, 128), jnp.float32),
        mesh=mesh,
        compiler_params=_SC_PARAMS,
        scratch_types=[
            pltpu.VMEM((rows_per_w, chunk), jnp.int32),
            pltpu.VMEM((npr, 128), jnp.float32),
        ],
    )
    def deg_kernel(dst_hbm, deg_out, didx_v, deg_v):
        cid = lax.axis_index("c")
        sid = lax.axis_index("s")
        wid = cid * NUM_SUBCORES + sid

        @pl.loop(0, npr)
        def _(i):
            @pl.loop(0, 8)
            def _(kk):
                deg_v[i, pl.ds(kk * 16, 16)] = jnp.zeros((16,), jnp.float32)

        pltpu.sync_copy(dst_hbm.at[pl.ds(wid * rows_per_w, rows_per_w)], didx_v)

        ones16 = jnp.ones((16,), jnp.float32)

        @pl.loop(0, rows_per_w)
        def _(j):
            @pl.loop(0, chunk // 16)
            def _(kk):
                idx = didx_v[j, pl.ds(kk * 16, 16)]
                row = lax.shift_right_logical(idx, 7)
                col = lax.bitwise_and(idx, 127)
                plsc.addupdate_scatter(deg_v, [row, col], ones16)

        pltpu.sync_copy(deg_v, deg_out.at[wid])

    return deg_kernel(dst2d)


def _sc_gather_scatter(h2, src2d, dst2d):
    np_pad, d = h2.shape
    rows, chunk = src2d.shape
    rows_per_w = rows // NUM_WORKERS
    w0 = rows_per_w
    w1 = 2 * rows_per_w - w0
    ws = 40
    assert w0 % ws == 0 and w1 % ws == 0 and ws % 8 == 0
    stripe = np_pad // NUM_SUBCORES
    zc = stripe // CHUNK
    mesh = plsc.VectorSubcoreMesh(core_axis_name="c", subcore_axis_name="s")

    @functools.partial(
        pl.kernel,
        out_type=jax.ShapeDtypeStruct((NUM_CORES, np_pad, d), jnp.float32),
        mesh=mesh,
        compiler_params=_SC_PARAMS,
        scratch_types=[
            pltpu.VMEM((ws, chunk), jnp.int32),
            pltpu.VMEM((ws, chunk), jnp.int32),
            pltpu.VMEM((2 * CHUNK, d), jnp.float32),
            pltpu.VMEM((zc, CHUNK), jnp.int32),
            pltpu.VMEM_SHARED((np_pad, d), jnp.float32),
            pltpu.SemaphoreType.DMA,
            pltpu.SemaphoreType.DMA,
        ],
    )
    def gs_kernel(h2_hbm, src_hbm, dst_hbm, agg_out,
                  sidx_v, didx_v, bufab_v, zidx_v, agg_sh, sema, semb):
        buf_v = bufab_v.at[pl.ds(0, CHUNK)]
        bufb_v = bufab_v.at[pl.ds(CHUNK, CHUNK)]
        cid = lax.axis_index("c")
        sid = lax.axis_index("s")
        wid = cid * NUM_SUBCORES + sid

        @pl.loop(0, 2 * CHUNK)
        def _(i):
            @pl.loop(0, d // 16)
            def _(kk):
                bufab_v[i, pl.ds(kk * 16, 16)] = jnp.zeros((16,), jnp.float32)

        @pl.loop(0, zc)
        def _(c):
            @pl.loop(0, CHUNK // 16)
            def _(kk):
                zidx_v[c, pl.ds(kk * 16, 16)] = (
                    lax.iota(jnp.int32, 16) + (sid * stripe + kk * 16)
                    + c * CHUNK)

        for c in range(zc):
            pltpu.sync_copy(buf_v, agg_sh.at[zidx_v.at[c]])

        plsc.subcore_barrier()

        w = jnp.where(cid == 0, w0, w1)
        start = cid * (NUM_SUBCORES * w0) + sid * w

        @pl.loop(0, w // ws)
        def _(h):
            base = start + h * ws
            pltpu.sync_copy(src_hbm.at[pl.ds(base, ws)], sidx_v)
            pltpu.sync_copy(dst_hbm.at[pl.ds(base, ws)], didx_v)
            pltpu.async_copy(h2_hbm.at[sidx_v.at[0]], buf_v, sema)

            @pl.loop(0, ws // 2)
            def _(g):
                j0 = 2 * g
                j1 = 2 * g + 1
                j2 = jnp.minimum(2 * g + 2, ws - 1)
                pltpu.make_async_copy(
                    h2_hbm.at[sidx_v.at[j0]], buf_v, sema).wait()
                pltpu.async_copy(h2_hbm.at[sidx_v.at[j1]], bufb_v, semb)
                pltpu.sync_copy(buf_v, agg_sh.at[didx_v.at[j0]], add=True)
                pltpu.make_async_copy(
                    h2_hbm.at[sidx_v.at[j1]], bufb_v, semb).wait()
                pltpu.async_copy(h2_hbm.at[sidx_v.at[j2]], buf_v, sema)
                pltpu.sync_copy(bufb_v, agg_sh.at[didx_v.at[j1]], add=True)

            pltpu.make_async_copy(
                h2_hbm.at[sidx_v.at[ws - 1]], buf_v, sema).wait()

        plsc.subcore_barrier()

        for c in range(zc):
            pltpu.sync_copy(agg_sh.at[zidx_v.at[c]], buf_v)
            pltpu.sync_copy(
                buf_v,
                agg_out.at[cid, pl.ds(sid * stripe + c * CHUNK, CHUNK)])

    return gs_kernel(h2, src2d, dst2d)


def _tc_transform(x_pad, W_msg, b_msg, W_lin, b_lin, deg_t, block_rows):
    np_pad, d = x_pad.shape

    def body(x_ref, wm_ref, bm_ref, wl_ref, bl_ref, deg_ref, h2_ref, skip_ref):
        deg = jnp.sum(deg_ref[...], axis=1, keepdims=True) + 1.0
        isd = lax.rsqrt(deg)
        h = jnp.dot(x_ref[...], wm_ref[...], preferred_element_type=jnp.float32)
        h2_ref[...] = (h + bm_ref[...]) * isd
        skip_ref[...] = (
            jnp.dot(x_ref[...], wl_ref[...], preferred_element_type=jnp.float32)
            + bl_ref[...])

    return pl.pallas_call(
        body,
        grid=(np_pad // block_rows,),
        in_specs=[
            pl.BlockSpec((block_rows, d), lambda i: (i, 0)),
            pl.BlockSpec((d, d), lambda i: (0, 0)),
            pl.BlockSpec((d,), lambda i: (0,)),
            pl.BlockSpec((d, d), lambda i: (0, 0)),
            pl.BlockSpec((d,), lambda i: (0,)),
            pl.BlockSpec((block_rows, NUM_WORKERS), lambda i: (i, 0)),
        ],
        out_specs=[
            pl.BlockSpec((block_rows, d), lambda i: (i, 0)),
            pl.BlockSpec((block_rows, d), lambda i: (i, 0)),
        ],
        out_shape=[
            jax.ShapeDtypeStruct((np_pad, d), jnp.float32),
            jax.ShapeDtypeStruct((np_pad, d), jnp.float32),
        ],
    )(x_pad, W_msg, b_msg, W_lin, b_lin, deg_t)


def _tc_final(agg_parts, deg_t, skip, block_rows):
    _, np_pad, d = agg_parts.shape

    def body(agg_ref, deg_ref, skip_ref, out_ref):
        deg = jnp.sum(deg_ref[...], axis=1, keepdims=True) + 1.0
        isd = lax.rsqrt(deg)
        seg = agg_ref[0] + agg_ref[1]
        out_ref[...] = jnp.maximum(seg * isd + skip_ref[...], 0.0)

    return pl.pallas_call(
        body,
        grid=(np_pad // block_rows,),
        in_specs=[
            pl.BlockSpec((NUM_CORES, block_rows, d), lambda i: (0, i, 0)),
            pl.BlockSpec((block_rows, NUM_WORKERS), lambda i: (i, 0)),
            pl.BlockSpec((block_rows, d), lambda i: (i, 0)),
        ],
        out_specs=pl.BlockSpec((block_rows, d), lambda i: (i, 0)),
        out_shape=jax.ShapeDtypeStruct((np_pad, d), jnp.float32),
    )(agg_parts, deg_t, skip)


def kernel(x, edge_index, W_msg, b_msg, W_lin, b_lin):
    n, d = x.shape
    e = edge_index.shape[1]
    np_pad = ((n + 2047) // 2048) * 2048
    e_unit = CHUNK * NUM_WORKERS * 8
    e_pad = ((e + e_unit - 1) // e_unit) * e_unit

    x_pad = jnp.pad(x, ((0, np_pad - n), (0, 0)))
    ei_pad = jnp.pad(edge_index, ((0, 0), (0, e_pad - e)), constant_values=n)
    src2d = ei_pad[0].reshape(e_pad // CHUNK, CHUNK)
    dst2d = ei_pad[1].reshape(e_pad // CHUNK, CHUNK)

    deg_parts = _sc_degree(dst2d, np_pad)
    deg_t = deg_parts.reshape(NUM_WORKERS, np_pad).T
    h2, skip = _tc_transform(x_pad, W_msg, b_msg, W_lin, b_lin, deg_t, 640)
    agg_parts = _sc_gather_scatter(h2, src2d, dst2d)
    out = _tc_final(agg_parts, deg_t, skip, 640)
    return out[:n]

# --- scband reference (transcript-rebuilt; emitter-appended) ---
"""Pipeline reference for scband-network-gnn-89404039233802 (READ-ONLY COPY).

The authoritative reference and input builder live on the scoring server;
editing this copy changes nothing except your own understanding.
"""

import jax, jax.numpy as jnp
import numpy as np

N = 10000
E = 320000
D = 128


def setup_inputs(seed: int = 0) -> dict:
    key = jax.random.key(seed)
    k1, k2, k3, k4, k5, k6 = jax.random.split(key, 6)
    x = jax.random.normal(k1, (N, D), dtype=jnp.float32)
    edge_index = jax.random.randint(k2, (2, E), 0, N, dtype=jnp.int32)
    scale = 1.0 / np.sqrt(D)
    W_msg = jax.random.normal(k3, (D, D), dtype=jnp.float32) * scale
    b_msg = jnp.zeros((D,), dtype=jnp.float32)
    W_lin = jax.random.normal(k4, (D, D), dtype=jnp.float32) * scale
    b_lin = jnp.zeros((D,), dtype=jnp.float32)
    return {"x": x, "edge_index": edge_index, "W_msg": W_msg, "b_msg": b_msg, "W_lin": W_lin, "b_lin": b_lin}


def reference(x, edge_index, W_msg, b_msg, W_lin, b_lin):
    # NaOp with a GCN-style aggregator + optional parallel linear skip (with_linear=True),
    # followed by relu activation (act='relu'), mirroring NetworkGNN's per-layer op.
    n = x.shape[0]
    src = edge_index[0]
    dst = edge_index[1]
    # symmetric degree normalization (GCN)
    ones = jnp.ones((src.shape[0],), dtype=jnp.float32)
    deg = jnp.zeros((n,), dtype=jnp.float32).at[dst].add(ones) + 1.0
    inv_sqrt_deg = 1.0 / jnp.sqrt(deg)
    norm = inv_sqrt_deg[src] * inv_sqrt_deg[dst]
    # transform then gather-and-aggregate messages (scatter-add over dst)
    h = x @ W_msg + b_msg
    msg = jnp.take(h, src, axis=0) * norm[:, None]
    agg = jax.ops.segment_sum(msg, dst, num_segments=n)
    skip = x @ W_lin + b_lin
    out = jax.nn.relu(agg + skip)
    return out

if __name__ == "__main__":
    import jax
    _d = setup_inputs()
    print(jax.jit(kernel)(*tuple(_d.values())))

</pallas_src>

<mosaic_0001>
#map = affine_map<(d0, d1) -> (0, 0)>
#map1 = affine_map<(d0, d1) -> (0, 0, 0)>
module attributes {stable_mosaic.version = 14 : i64} {
  func.func @deg_kernel(%arg0: i32, %arg1: i32, %arg2: memref<2560x128xi32, #tpu.memory_space<hbm>>, %arg3: memref<32x80x128xf32, #tpu.memory_space<hbm>>, %arg4: memref<80x128xi32, #tpu.memory_space<vmem>>, %arg5: memref<80x128xf32, #tpu.memory_space<vmem>>) attributes {dimension_semantics = [#tpu.dimension_semantics<core_parallel>, #tpu.dimension_semantics<subcore_parallel>], iteration_bounds = array<i64: 2, 16>, scalar_prefetch = 0 : i64, scratch_operands = 2 : i64, tpu.core_type = #tpu.core_type<sc_vector_subcore>, window_params = [{transform_indices = #map}, {transform_indices = #map1}]} {
    %mul3A = arith.constant 16 : i32
    %mul3A_0 = arith.muli %arg0, %mul3A : i32
    %add3A = arith.addi %mul3A_0, %arg1 : i32
    %scan3A = arith.constant 0 : i32
    %scan3A_1 = arith.constant 80 : i32
    %scan3A_2 = arith.addi %scan3A, %scan3A_1 : i32
    %scan3A_3 = arith.constant 1 : i32
    scf.for %scan3A_13 = %scan3A to %scan3A_2 step %scan3A_3  : i32 {
      %mul3A_14 = arith.constant 1 : i32
      %mul3A_15 = arith.muli %scan3A_13, %mul3A_14 : i32
      %add3A_16 = arith.constant 0 : i32
      %add3A_17 = arith.addi %add3A_16, %mul3A_15 : i32
      %scan3A_18 = arith.constant 0 : i32
      %scan3A_19 = arith.constant 8 : i32
      %scan3A_20 = arith.addi %scan3A_18, %scan3A_19 : i32
      %scan3A_21 = arith.constant 1 : i32
      scf.for %scan3A_23 = %scan3A_18 to %scan3A_20 step %scan3A_21  : i32 {
        %mul3A_24 = arith.constant 1 : i32
        %mul3A_25 = arith.muli %scan3A_23, %mul3A_24 : i32
        %add3A_26 = arith.constant 0 : i32
        %add3A_27 = arith.addi %add3A_26, %mul3A_25 : i32
        %broadcast_in_dim3A_28 = arith.constant 0.000000e+00 : f32
        %broadcast_in_dim3A_29 = vector.broadcast %broadcast_in_dim3A_28 : f32 to vector<16xf32>
        %mul3A_30 = arith.constant 16 : i32
        %mul3A_31 = arith.muli %add3A_27, %mul3A_30 : i32
        %swap3A = arith.index_cast %add3A_17 : i32 to index
        %swap3A_32 = arith.index_cast %mul3A_31 : i32 to index
        %swap3A_33 = tpu.vector_load %arg5[%swap3A, %swap3A_32] {strides = array<i32>} : memref<80x128xf32, #tpu.memory_space<vmem>>, vector<16xf32>,
        tpu.vector_store %arg5[%swap3A, %swap3A_32], %broadcast_in_dim3A_29 {strides = array<i32>} : memref<80x128xf32, #tpu.memory_space<vmem>>, vector<16xf32>,
      }
      %scan3A_22 = arith.constant 8 : i32
    }
    %scan3A_4 = arith.constant 80 : i32
    %mul3A_5 = arith.constant 80 : i32
    %mul3A_6 = arith.muli %add3A, %mul3A_5 : i32
    "tpu.region"() ({
      %run_scoped3A = tpu.sem_alloc : memref<!tpu.dma_semaphore, #tpu.memory_space<semaphore_mem>>
      %dma_start3A = arith.constant 0 : i32
      %dma_start3A_13 = tpu.memref_slice %arg2[%mul3A_6, %dma_start3A] : memref<2560x128xi32, #tpu.memory_space<hbm>> -> memref<80x128xi32, #tpu.memory_space<hbm>>
      %dma_start3A_14 = arith.constant 0 : i32
      %dma_start3A_15 = tpu.memref_slice %arg2[%mul3A_6, %dma_start3A_14] : memref<2560x128xi32, #tpu.memory_space<hbm>> -> memref<80x128xi32, #tpu.memory_space<hbm>>
      tpu.enqueue_dma source(%dma_start3A_15 : memref<80x128xi32, #tpu.memory_space<hbm>>) target(%arg4 : memref<80x128xi32, #tpu.memory_space<vmem>>) target_semaphore(%run_scoped3A : memref<!tpu.dma_semaphore, #tpu.memory_space<semaphore_mem>>)
      %dma_wait3A = arith.constant 0 : i32
      %dma_wait3A_16 = tpu.memref_slice %arg2[%mul3A_6, %dma_wait3A] : memref<2560x128xi32, #tpu.memory_space<hbm>> -> memref<80x128xi32, #tpu.memory_space<hbm>>
      %dma_wait3A_17 = arith.constant 0 : i32
      %dma_wait3A_18 = tpu.memref_slice %arg2[%mul3A_6, %dma_wait3A_17] : memref<2560x128xi32, #tpu.memory_space<hbm>> -> memref<80x128xi32, #tpu.memory_space<hbm>>
      tpu.wait_dma2 semaphore(%run_scoped3A : memref<!tpu.dma_semaphore, #tpu.memory_space<semaphore_mem>>) src(%dma_wait3A_18 : memref<80x128xi32, #tpu.memory_space<hbm>>) dst(%arg4 : memref<80x128xi32, #tpu.memory_space<vmem>>)
      tpu.yield
    }) : () -> ()
    %broadcast_in_dim3A = arith.constant 1.000000e+00 : f32
    %broadcast_in_dim3A_7 = vector.broadcast %broadcast_in_dim3A : f32 to vector<16xf32>
    %scan3A_8 = arith.constant 0 : i32
    %scan3A_9 = arith.constant 80 : i32
    %scan3A_10 = arith.addi %scan3A_8, %scan3A_9 : i32
    %scan3A_11 = arith.constant 1 : i32
    scf.for %scan3A_13 = %scan3A_8 to %scan3A_10 step %scan3A_11  : i32 {
      %mul3A_14 = arith.constant 1 : i32
      %mul3A_15 = arith.muli %scan3A_13, %mul3A_14 : i32
      %add3A_16 = arith.constant 0 : i32
      %add3A_17 = arith.addi %add3A_16, %mul3A_15 : i32
      %scan3A_18 = arith.constant 0 : i32
      %scan3A_19 = arith.constant 8 : i32
      %scan3A_20 = arith.addi %scan3A_18, %scan3A_19 : i32
      %scan3A_21 = arith.constant 1 : i32
      scf.for %scan3A_23 = %scan3A_18 to %scan3A_20 step %scan3A_21  : i32 {
        %mul3A_24 = arith.constant 1 : i32
        %mul3A_25 = arith.muli %scan3A_23, %mul3A_24 : i32
        %add3A_26 = arith.constant 0 : i32
        %add3A_27 = arith.addi %add3A_26, %mul3A_25 : i32
        %mul3A_28 = arith.constant 16 : i32
        %mul3A_29 = arith.muli %add3A_27, %mul3A_28 : i32
        %get3A = arith.index_cast %add3A_17 : i32 to index
        %get3A_30 = arith.index_cast %mul3A_29 : i32 to index
        %get3A_31 = tpu.vector_load %arg4[%get3A, %get3A_30] {strides = array<i32>} : memref<80x128xi32, #tpu.memory_space<vmem>>, vector<16xi32>,
        %shift_right_logical3A = arith.constant 7 : i32
        %shift_right_logical3A_32 = vector.broadcast %shift_right_logical3A : i32 to vector<16xi32>
        %shift_right_logical3A_33 = arith.shrui %get3A_31, %shift_right_logical3A_32 : vector<16xi32>
        %and3A = arith.constant 127 : i32
        %and3A_34 = vector.broadcast %and3A : i32 to vector<16xi32>
        %and3A_35 = arith.andi %get3A_31, %and3A_34 : vector<16xi32>
        tpu.vector_store_idx %arg5[%shift_right_logical3A_33, %and3A_35], %broadcast_in_dim3A_7 {add = true} : memref<80x128xf32, #tpu.memory_space<vmem>>[vector<16xi32>, vector<16xi32>], vector<16xf32>,
      }
      %scan3A_22 = arith.constant 8 : i32
    }
    %scan3A_12 = arith.constant 80 : i32
    "tpu.region"() ({
      %run_scoped3A = tpu.sem_alloc : memref<!tpu.dma_semaphore, #tpu.memory_space<semaphore_mem>>
      %dma_start3A = arith.constant 0 : i32
      %dma_start3A_13 = arith.constant 0 : i32
      %dma_start3A_14 = tpu.memref_slice %arg3[%add3A, %dma_start3A, %dma_start3A_13] : memref<32x80x128xf32, #tpu.memory_space<hbm>> -> memref<1x80x128xf32, #tpu.memory_space<hbm>>
      %dma_start3A_15 = tpu.memref_squeeze %dma_start3A_14 : memref<1x80x128xf32, #tpu.memory_space<hbm>> -> memref<80x128xf32, #tpu.memory_space<hbm>>
      %dma_start3A_16 = arith.constant 0 : i32
      %dma_start3A_17 = arith.constant 0 : i32
      %dma_start3A_18 = tpu.memref_slice %arg3[%add3A, %dma_start3A_16, %dma_start3A_17] : memref<32x80x128xf32, #tpu.memory_space<hbm>> -> memref<1x80x128xf32, #tpu.memory_space<hbm>>
      %dma_start3A_19 = tpu.memref_squeeze %dma_start3A_18 : memref<1x80x128xf32, #tpu.memory_space<hbm>> -> memref<80x128xf32, #tpu.memory_space<hbm>>
      tpu.enqueue_dma source(%arg5 : memref<80x128xf32, #tpu.memory_space<vmem>>) target(%dma_start3A_19 : memref<80x128xf32, #tpu.memory_space<hbm>>) target_semaphore(%run_scoped3A : memref<!tpu.dma_semaphore, #tpu.memory_space<semaphore_mem>>)
      %dma_wait3A = arith.constant 0 : i32
      %dma_wait3A_20 = arith.constant 0 : i32
      %dma_wait3A_21 = tpu.memref_slice %arg3[%add3A, %dma_wait3A, %dma_wait3A_20] : memref<32x80x128xf32, #tpu.memory_space<hbm>> -> memref<1x80x128xf32, #tpu.memory_space<hbm>>
      %dma_wait3A_22 = tpu.memref_squeeze %dma_wait3A_21 : memref<1x80x128xf32, #tpu.memory_space<hbm>> -> memref<80x128xf32, #tpu.memory_space<hbm>>
      %dma_wait3A_23 = arith.constant 0 : i32
      %dma_wait3A_24 = arith.constant 0 : i32
      %dma_wait3A_25 = tpu.memref_slice %arg3[%add3A, %dma_wait3A_23, %dma_wait3A_24] : memref<32x80x128xf32, #tpu.memory_space<hbm>> -> memref<1x80x128xf32, #tpu.memory_space<hbm>>
      %dma_wait3A_26 = tpu.memref_squeeze %dma_wait3A_25 : memref<1x80x128xf32, #tpu.memory_space<hbm>> -> memref<80x128xf32, #tpu.memory_space<hbm>>
      tpu.wait_dma2 semaphore(%run_scoped3A : memref<!tpu.dma_semaphore, #tpu.memory_space<semaphore_mem>>) src(%arg5 : memref<80x128xf32, #tpu.memory_space<vmem>>) dst(%dma_wait3A_26 : memref<80x128xf32, #tpu.memory_space<hbm>>)
      tpu.yield
    }) : () -> ()
    return
  }
}

#map = affine_map<(d0, d1) -> (0, 0)>
#map1 = affine_map<(d0, d1) -> (0, 0, 0)>
module attributes {stable_mosaic.version = 14 : i64} {
  func.func @gs_kernel(%arg0: i32, %arg1: i32, %arg2: memref<10240x128xf32, #tpu.memory_space<hbm>>, %arg3: memref<2560x128xi32, #tpu.memory_space<hbm>>, %arg4: memref<2560x128xi32, #tpu.memory_space<hbm>>, %arg5: memref<2x10240x128xf32, #tpu.memory_space<hbm>>, %arg6: memref<40x128xi32, #tpu.memory_space<vmem>>, %arg7: memref<40x128xi32, #tpu.memory_space<vmem>>, %arg8: memref<256x128xf32, #tpu.memory_space<vmem>>, %arg9: memref<5x128xi32, #tpu.memory_space<vmem>>, %arg10: memref<10240x128xf32, #tpu.memory_space<vmem_shared>>, %arg11: memref<!tpu.dma_semaphore, #tpu.memory_space<semaphore_mem>>, %arg12: memref<!tpu.dma_semaphore, #tpu.memory_space<semaphore_mem>>) attributes {dimension_semantics = [#tpu.dimension_semantics<core_parallel>, #tpu.dimension_semantics<subcore_parallel>], iteration_bounds = array<i64: 2, 16>, scalar_prefetch = 0 : i64, scratch_operands = 7 : i64, tpu.core_type = #tpu.core_type<sc_vector_subcore>, window_params = [{transform_indices = #map}, {transform_indices = #map}, {transform_indices = #map}, {transform_indices = #map1}]} {
    %mul3A = arith.constant 16 : i32
    %mul3A_0 = arith.muli %arg0, %mul3A : i32
    %add3A = arith.addi %mul3A_0, %arg1 : i32
    %scan3A = arith.constant 0 : i32
    %scan3A_1 = arith.constant 256 : i32
    %scan3A_2 = arith.addi %scan3A, %scan3A_1 : i32
    %scan3A_3 = arith.constant 1 : i32
    scf.for %scan3A_82 = %scan3A to %scan3A_2 step %scan3A_3  : i32 {
      %mul3A_83 = arith.constant 1 : i32
      %mul3A_84 = arith.muli %scan3A_82, %mul3A_83 : i32
      %add3A_85 = arith.constant 0 : i32
      %add3A_86 = arith.addi %add3A_85, %mul3A_84 : i32
      %scan3A_87 = arith.constant 0 : i32
      %scan3A_88 = arith.constant 8 : i32
      %scan3A_89 = arith.addi %scan3A_87, %scan3A_88 : i32
      %scan3A_90 = arith.constant 1 : i32
      scf.for %scan3A_92 = %scan3A_87 to %scan3A_89 step %scan3A_90  : i32 {
        %mul3A_93 = arith.constant 1 : i32
        %mul3A_94 = arith.muli %scan3A_92, %mul3A_93 : i32
        %add3A_95 = arith.constant 0 : i32
        %add3A_96 = arith.addi %add3A_95, %mul3A_94 : i32
        %broadcast_in_dim3A = arith.constant 0.000000e+00 : f32
        %broadcast_in_dim3A_97 = vector.broadcast %broadcast_in_dim3A : f32 to vector<16xf32>
        %mul3A_98 = arith.constant 16 : i32
        %mul3A_99 = arith.muli %add3A_96, %mul3A_98 : i32
        %swap3A = arith.index_cast %add3A_86 : i32 to index
        %swap3A_100 = arith.index_cast %mul3A_99 : i32 to index
        %swap3A_101 = tpu.vector_load %arg8[%swap3A, %swap3A_100] {strides = array<i32>} : memref<256x128xf32, #tpu.memory_space<vmem>>, vector<16xf32>,
        tpu.vector_store %arg8[%swap3A, %swap3A_100], %broadcast_in_dim3A_97 {strides = array<i32>} : memref<256x128xf32, #tpu.memory_space<vmem>>, vector<16xf32>,
      }
      %scan3A_91 = arith.constant 8 : i32
    }
    %scan3A_4 = arith.constant 256 : i32
    %scan3A_5 = arith.constant 0 : i32
    %scan3A_6 = arith.constant 5 : i32
    %scan3A_7 = arith.addi %scan3A_5, %scan3A_6 : i32
    %scan3A_8 = arith.constant 1 : i32
    scf.for %scan3A_82 = %scan3A_5 to %scan3A_7 step %scan3A_8  : i32 {
      %mul3A_83 = arith.constant 1 : i32
      %mul3A_84 = arith.muli %scan3A_82, %mul3A_83 : i32
      %add3A_85 = arith.constant 0 : i32
      %add3A_86 = arith.addi %add3A_85, %mul3A_84 : i32
      %scan3A_87 = arith.constant 0 : i32
      %scan3A_88 = arith.constant 8 : i32
      %scan3A_89 = arith.addi %scan3A_87, %scan3A_88 : i32
      %scan3A_90 = arith.constant 1 : i32
      scf.for %scan3A_92 = %scan3A_87 to %scan3A_89 step %scan3A_90  : i32 {
        %mul3A_93 = arith.constant 1 : i32
        %mul3A_94 = arith.muli %scan3A_92, %mul3A_93 : i32
        %add3A_95 = arith.constant 0 : i32
        %add3A_96 = arith.addi %add3A_95, %mul3A_94 : i32
        %iota3A = tpu.iota {dimensions = array<i32: 0>} : vector<16xi32>
        %mul3A_97 = arith.constant 640 : i32
        %mul3A_98 = arith.muli %arg1, %mul3A_97 : i32
        %mul3A_99 = arith.constant 16 : i32
        %mul3A_100 = arith.muli %add3A_96, %mul3A_99 : i32
        %add3A_101 = arith.addi %mul3A_98, %mul3A_100 : i32
        %add3A_102 = vector.broadcast %add3A_101 : i32 to vector<16xi32>
        %add3A_103 = arith.addi %iota3A, %add3A_102 : vector<16xi32>
        %mul3A_104 = arith.constant 128 : i32
        %mul3A_105 = arith.muli %add3A_86, %mul3A_104 : i32
        %add3A_106 = vector.broadcast %mul3A_105 : i32 to vector<16xi32>
        %add3A_107 = arith.addi %add3A_103, %add3A_106 : vector<16xi32>
        %mul3A_108 = arith.constant 16 : i32
        %mul3A_109 = arith.muli %add3A_96, %mul3A_108 : i32
        %swap3A = arith.index_cast %add3A_86 : i32 to index
        %swap3A_110 = arith.index_cast %mul3A_109 : i32 to index
        %swap3A_111 = tpu.vector_load %arg9[%swap3A, %swap3A_110] {strides = array<i32>} : memref<5x128xi32, #tpu.memory_space<vmem>>, vector<16xi32>,
        tpu.vector_store %arg9[%swap3A, %swap3A_110], %add3A_107 {strides = array<i32>} : memref<5x128xi32, #tpu.memory_space<vmem>>, vector<16xi32>,
      }
      %scan3A_91 = arith.constant 8 : i32
    }
    %scan3A_9 = arith.constant 5 : i32
    %run_scoped3A = arith.constant 0 : i32
    "tpu.region"() ({
      %run_scoped3A_82 = tpu.sem_alloc : memref<!tpu.dma_semaphore, #tpu.memory_space<semaphore_mem>>
      %dma_start3A = arith.constant 0 : i32
      %dma_start3A_83 = arith.constant 0 : i32
      %dma_start3A_84 = tpu.memref_slice %arg8[%dma_start3A, %dma_start3A_83] : memref<256x128xf32, #tpu.memory_space<vmem>> -> memref<128x128xf32, #tpu.memory_space<vmem>>
      %dma_start3A_85 = arith.constant 0 : i32
      %dma_start3A_86 = tpu.memref_slice %arg9[%run_scoped3A, %dma_start3A_85] : memref<5x128xi32, #tpu.memory_space<vmem>> -> memref<1x128xi32, #tpu.memory_space<vmem>>
      %dma_start3A_87 = tpu.memref_squeeze %dma_start3A_86 : memref<1x128xi32, #tpu.memory_space<vmem>> -> memref<128xi32, #tpu.memory_space<vmem>>
      %dma_start3A_88 = arith.constant 0 : i32
      %dma_start3A_89 = arith.constant 0 : i32
      %dma_start3A_90 = tpu.memref_slice %arg10[%dma_start3A_88, %dma_start3A_89] : memref<10240x128xf32, #tpu.memory_space<vmem_shared>> -> memref<10240x128xf32, #tpu.memory_space<vmem_shared>>
      tpu.enqueue_indirect_dma source(%dma_start3A_84 : memref<128x128xf32, #tpu.memory_space<vmem>>) target(%dma_start3A_90 : memref<10240x128xf32, #tpu.memory_space<vmem_shared>>) offsets(%dma_start3A_87 : memref<128xi32, #tpu.memory_space<vmem>>) semaphore(%run_scoped3A_82 : memref<!tpu.dma_semaphore, #tpu.memory_space<semaphore_mem>>)
      %dma_wait3A = arith.constant 0 : i32
      %dma_wait3A_91 = arith.constant 0 : i32
      %dma_wait3A_92 = tpu.memref_slice %arg8[%dma_wait3A, %dma_wait3A_91] : memref<256x128xf32, #tpu.memory_space<vmem>> -> memref<128x128xf32, #tpu.memory_space<vmem>>
      %dma_wait3A_93 = arith.constant 0 : i32
      %dma_wait3A_94 = tpu.memref_slice %arg9[%run_scoped3A, %dma_wait3A_93] : memref<5x128xi32, #tpu.memory_space<vmem>> -> memref<1x128xi32, #tpu.memory_space<vmem>>
      %dma_wait3A_95 = tpu.memref_squeeze %dma_wait3A_94 : memref<1x128xi32, #tpu.memory_space<vmem>> -> memref<128xi32, #tpu.memory_space<vmem>>
      %dma_wait3A_96 = arith.constant 0 : i32
      %dma_wait3A_97 = arith.constant 0 : i32
      %dma_wait3A_98 = tpu.memref_slice %arg10[%dma_wait3A_96, %dma_wait3A_97] : memref<10240x128xf32, #tpu.memory_space<vmem_shared>> -> memref<10240x128xf32, #tpu.memory_space<vmem_shared>>
      tpu.wait_indirect_dma semaphore(%run_scoped3A_82 : memref<!tpu.dma_semaphore, #tpu.memory_space<semaphore_mem>>) src(%dma_wait3A_92 : memref<128x128xf32, #tpu.memory_space<vmem>>) dst(%dma_wait3A_98 : memref<10240x128xf32, #tpu.memory_space<vmem_shared>>)
      tpu.yield
    }) : () -> ()
    %run_scoped3A_10 = arith.constant 1 : i32
    "tpu.region"() ({
      %run_scoped3A_82 = tpu.sem_alloc : memref<!tpu.dma_semaphore, #tpu.memory_space<semaphore_mem>>
      %dma_start3A = arith.constant 0 : i32
      %dma_start3A_83 = arith.constant 0 : i32
      %dma_start3A_84 = tpu.memref_slice %arg8[%dma_start3A, %dma_start3A_83] : memref<256x128xf32, #tpu.memory_space<vmem>> -> memref<128x128xf32, #tpu.memory_space<vmem>>
      %dma_start3A_85 = arith.constant 0 : i32
      %dma_start3A_86 = tpu.memref_slice %arg9[%run_scoped3A_10, %dma_start3A_85] : memref<5x128xi32, #tpu.memory_space<vmem>> -> memref<1x128xi32, #tpu.memory_space<vmem>>
      %dma_start3A_87 = tpu.memref_squeeze %dma_start3A_86 : memref<1x128xi32, #tpu.memory_space<vmem>> -> memref<128xi32, #tpu.memory_space<vmem>>
      %dma_start3A_88 = arith.constant 0 : i32
      %dma_start3A_89 = arith.constant 0 : i32
      %dma_start3A_90 = tpu.memref_slice %arg10[%dma_start3A_88, %dma_start3A_89] : memref<10240x128xf32, #tpu.memory_space<vmem_shared>> -> memref<10240x128xf32, #tpu.memory_space<vmem_shared>>
      tpu.enqueue_indirect_dma source(%dma_start3A_84 : memref<128x128xf32, #tpu.memory_space<vmem>>) target(%dma_start3A_90 : memref<10240x128xf32, #tpu.memory_space<vmem_shared>>) offsets(%dma_start3A_87 : memref<128xi32, #tpu.memory_space<vmem>>) semaphore(%run_scoped3A_82 : memref<!tpu.dma_semaphore, #tpu.memory_space<semaphore_mem>>)
      %dma_wait3A = arith.constant 0 : i32
      %dma_wait3A_91 = arith.constant 0 : i32
      %dma_wait3A_92 = tpu.memref_slice %arg8[%dma_wait3A, %dma_wait3A_91] : memref<256x128xf32, #tpu.memory_space<vmem>> -> memref<128x128xf32, #tpu.memory_space<vmem>>
      %dma_wait3A_93 = arith.constant 0 : i32
      %dma_wait3A_94 = tpu.memref_slice %arg9[%run_scoped3A_10, %dma_wait3A_93] : memref<5x128xi32, #tpu.memory_space<vmem>> -> memref<1x128xi32, #tpu.memory_space<vmem>>
      %dma_wait3A_95 = tpu.memref_squeeze %dma_wait3A_94 : memref<1x128xi32, #tpu.memory_space<vmem>> -> memref<128xi32, #tpu.memory_space<vmem>>
      %dma_wait3A_96 = arith.constant 0 : i32
      %dma_wait3A_97 = arith.constant 0 : i32
      %dma_wait3A_98 = tpu.memref_slice %arg10[%dma_wait3A_96, %dma_wait3A_97] : memref<10240x128xf32, #tpu.memory_space<vmem_shared>> -> memref<10240x128xf32, #tpu.memory_space<vmem_shared>>
      tpu.wait_indirect_dma semaphore(%run_scoped3A_82 : memref<!tpu.dma_semaphore, #tpu.memory_space<semaphore_mem>>) src(%dma_wait3A_92 : memref<128x128xf32, #tpu.memory_space<vmem>>) dst(%dma_wait3A_98 : memref<10240x128xf32, #tpu.memory_space<vmem_shared>>)
      tpu.yield
    }) : () -> ()
    %run_scoped3A_11 = arith.constant 2 : i32
    "tpu.region"() ({
      %run_scoped3A_82 = tpu.sem_alloc : memref<!tpu.dma_semaphore, #tpu.memory_space<semaphore_mem>>
      %dma_start3A = arith.constant 0 : i32
      %dma_start3A_83 = arith.constant 0 : i32
      %dma_start3A_84 = tpu.memref_slice %arg8[%dma_start3A, %dma_start3A_83] : memref<256x128xf32, #tpu.memory_space<vmem>> -> memref<128x128xf32, #tpu.memory_space<vmem>>
      %dma_start3A_85 = arith.constant 0 : i32
      %dma_start3A_86 = tpu.memref_slice %arg9[%run_scoped3A_11, %dma_start3A_85] : memref<5x128xi32, #tpu.memory_space<vmem>> -> memref<1x128xi32, #tpu.memory_space<vmem>>
      %dma_start3A_87 = tpu.memref_squeeze %dma_start3A_86 : memref<1x128xi32, #tpu.memory_space<vmem>> -> memref<128xi32, #tpu.memory_space<vmem>>
      %dma_start3A_88 = arith.constant 0 : i32
      %dma_start3A_89 = arith.constant 0 : i32
      %dma_start3A_90 = tpu.memref_slice %arg10[%dma_start3A_88, %dma_start3A_89] : memref<10240x128xf32, #tpu.memory_space<vmem_shared>> -> memref<10240x128xf32, #tpu.memory_space<vmem_shared>>
      tpu.enqueue_indirect_dma source(%dma_start3A_84 : memref<128x128xf32, #tpu.memory_space<vmem>>) target(%dma_start3A_90 : memref<10240x128xf32, #tpu.memory_space<vmem_shared>>) offsets(%dma_start3A_87 : memref<128xi32, #tpu.memory_space<vmem>>) semaphore(%run_scoped3A_82 : memref<!tpu.dma_semaphore, #tpu.memory_space<semaphore_mem>>)
      %dma_wait3A = arith.constant 0 : i32
      %dma_wait3A_91 = arith.constant 0 : i32
      %dma_wait3A_92 = tpu.memref_slice %arg8[%dma_wait3A, %dma_wait3A_91] : memref<256x128xf32, #tpu.memory_space<vmem>> -> memref<128x128xf32, #tpu.memory_space<vmem>>
      %dma_wait3A_93 = arith.constant 0 : i32
      %dma_wait3A_94 = tpu.memref_slice %arg9[%run_scoped3A_11, %dma_wait3A_93] : memref<5x128xi32, #tpu.memory_space<vmem>> -> memref<1x128xi32, #tpu.memory_space<vmem>>
      %dma_wait3A_95 = tpu.memref_squeeze %dma_wait3A_94 : memref<1x128xi32, #tpu.memory_space<vmem>> -> memref<128xi32, #tpu.memory_space<vmem>>
      %dma_wait3A_96 = arith.constant 0 : i32
      %dma_wait3A_97 = arith.constant 0 : i32
      %dma_wait3A_98 = tpu.memref_slice %arg10[%dma_wait3A_96, %dma_wait3A_97] : memref<10240x128xf32, #tpu.memory_space<vmem_shared>> -> memref<10240x128xf32, #tpu.memory_space<vmem_shared>>
      tpu.wait_indirect_dma semaphore(%run_scoped3A_82 : memref<!tpu.dma_semaphore, #tpu.memory_space<semaphore_mem>>) src(%dma_wait3A_92 : memref<128x128xf32, #tpu.memory_space<vmem>>) dst(%dma_wait3A_98 : memref<10240x128xf32, #tpu.memory_space<vmem_shared>>)
      tpu.yield
    }) : () -> ()
    %run_scoped3A_12 = arith.constant 3 : i32
    "tpu.region"() ({
      %run_scoped3A_82 = tpu.sem_alloc : memref<!tpu.dma_semaphore, #tpu.memory_space<semaphore_mem>>
      %dma_start3A = arith.constant 0 : i32
      %dma_start3A_83 = arith.constant 0 : i32
      %dma_start3A_84 = tpu.memref_slice %arg8[%dma_start3A, %dma_start3A_83] : memref<256x128xf32, #tpu.memory_space<vmem>> -> memref<128x128xf32, #tpu.memory_space<vmem>>
      %dma_start3A_85 = arith.constant 0 : i32
      %dma_start3A_86 = tpu.memref_slice %arg9[%run_scoped3A_12, %dma_start3A_85] : memref<5x128xi32, #tpu.memory_space<vmem>> -> memref<1x128xi32, #tpu.memory_space<vmem>>
      %dma_start3A_87 = tpu.memref_squeeze %dma_start3A_86 : memref<1x128xi32, #tpu.memory_space<vmem>> -> memref<128xi32, #tpu.memory_space<vmem>>
      %dma_start3A_88 = arith.constant 0 : i32
      %dma_start3A_89 = arith.constant 0 : i32
      %dma_start3A_90 = tpu.memref_slice %arg10[%dma_start3A_88, %dma_start3A_89] : memref<10240x128xf32, #tpu.memory_space<vmem_shared>> -> memref<10240x128xf32, #tpu.memory_space<vmem_shared>>
      tpu.enqueue_indirect_dma source(%dma_start3A_84 : memref<128x128xf32, #tpu.memory_space<vmem>>) target(%dma_start3A_90 : memref<10240x128xf32, #tpu.memory_space<vmem_shared>>) offsets(%dma_start3A_87 : memref<128xi32, #tpu.memory_space<vmem>>) semaphore(%run_scoped3A_82 : memref<!tpu.dma_semaphore, #tpu.memory_space<semaphore_mem>>)
      %dma_wait3A = arith.constant 0 : i32
      %dma_wait3A_91 = arith.constant 0 : i32
      %dma_wait3A_92 = tpu.memref_slice %arg8[%dma_wait3A, %dma_wait3A_91] : memref<256x128xf32, #tpu.memory_space<vmem>> -> memref<128x128xf32, #tpu.memory_space<vmem>>
      %dma_wait3A_93 = arith.constant 0 : i32
      %dma_wait3A_94 = tpu.memref_slice %arg9[%run_scoped3A_12, %dma_wait3A_93] : memref<5x128xi32, #tpu.memory_space<vmem>> -> memref<1x128xi32, #tpu.memory_space<vmem>>
      %dma_wait3A_95 = tpu.memref_squeeze %dma_wait3A_94 : memref<1x128xi32, #tpu.memory_space<vmem>> -> memref<128xi32, #tpu.memory_space<vmem>>
      %dma_wait3A_96 = arith.constant 0 : i32
      %dma_wait3A_97 = arith.constant 0 : i32
      %dma_wait3A_98 = tpu.memref_slice %arg10[%dma_wait3A_96, %dma_wait3A_97] : memref<10240x128xf32, #tpu.memory_space<vmem_shared>> -> memref<10240x128xf32, #tpu.memory_space<vmem_shared>>
      tpu.wait_indirect_dma semaphore(%run_scoped3A_82 : memref<!tpu.dma_semaphore, #tpu.memory_space<semaphore_mem>>) src(%dma_wait3A_92 : memref<128x128xf32, #tpu.memory_space<vmem>>) dst(%dma_wait3A_98 : memref<10240x128xf32, #tpu.memory_space<vmem_shared>>)
      tpu.yield
    }) : () -> ()
    %run_scoped3A_13 = arith.constant 4 : i32
    "tpu.region"() ({
      %run_scoped3A_82 = tpu.sem_alloc : memref<!tpu.dma_semaphore, #tpu.memory_space<semaphore_mem>>
      %dma_start3A = arith.constant 0 : i32
      %dma_start3A_83 = arith.constant 0 : i32
      %dma_start3A_84 = tpu.memref_slice %arg8[%dma_start3A, %dma_start3A_83] : memref<256x128xf32, #tpu.memory_space<vmem>> -> memref<128x128xf32, #tpu.memory_space<vmem>>
      %dma_start3A_85 = arith.constant 0 : i32
      %dma_start3A_86 = tpu.memref_slice %arg9[%run_scoped3A_13, %dma_start3A_85] : memref<5x128xi32, #tpu.memory_space<vmem>> -> memref<1x128xi32, #tpu.memory_space<vmem>>
      %dma_start3A_87 = tpu.memref_squeeze %dma_start3A_86 : memref<1x128xi32, #tpu.memory_space<vmem>> -> memref<128xi32, #tpu.memory_space<vmem>>
      %dma_start3A_88 = arith.constant 0 : i32
      %dma_start3A_89 = arith.constant 0 : i32
      %dma_start3A_90 = tpu.memref_slice %arg10[%dma_start3A_88, %dma_start3A_89] : memref<10240x128xf32, #tpu.memory_space<vmem_shared>> -> memref<10240x128xf32, #tpu.memory_space<vmem_shared>>
      tpu.enqueue_indirect_dma source(%dma_start3A_84 : memref<128x128xf32, #tpu.memory_space<vmem>>) target(%dma_start3A_90 : memref<10240x128xf32, #tpu.memory_space<vmem_shared>>) offsets(%dma_start3A_87 : memref<128xi32, #tpu.memory_space<vmem>>) semaphore(%run_scoped3A_82 : memref<!tpu.dma_semaphore, #tpu.memory_space<semaphore_mem>>)
      %dma_wait3A = arith.constant 0 : i32
      %dma_wait3A_91 = arith.constant 0 : i32
      %dma_wait3A_92 = tpu.memref_slice %arg8[%dma_wait3A, %dma_wait3A_91] : memref<256x128xf32, #tpu.memory_space<vmem>> -> memref<128x128xf32, #tpu.memory_space<vmem>>
      %dma_wait3A_93 = arith.constant 0 : i32
      %dma_wait3A_94 = tpu.memref_slice %arg9[%run_scoped3A_13, %dma_wait3A_93] : memref<5x128xi32, #tpu.memory_space<vmem>> -> memref<1x128xi32, #tpu.memory_space<vmem>>
      %dma_wait3A_95 = tpu.memref_squeeze %dma_wait3A_94 : memref<1x128xi32, #tpu.memory_space<vmem>> -> memref<128xi32, #tpu.memory_space<vmem>>
      %dma_wait3A_96 = arith.constant 0 : i32
      %dma_wait3A_97 = arith.constant 0 : i32
      %dma_wait3A_98 = tpu.memref_slice %arg10[%dma_wait3A_96, %dma_wait3A_97] : memref<10240x128xf32, #tpu.memory_space<vmem_shared>> -> memref<10240x128xf32, #tpu.memory_space<vmem_shared>>
      tpu.wait_indirect_dma semaphore(%run_scoped3A_82 : memref<!tpu.dma_semaphore, #tpu.memory_space<semaphore_mem>>) src(%dma_wait3A_92 : memref<128x128xf32, #tpu.memory_space<vmem>>) dst(%dma_wait3A_98 : memref<10240x128xf32, #tpu.memory_space<vmem_shared>>)
      tpu.yield
    }) : () -> ()
    %barrier3A = arith.constant 0 : index
    tpu.barrier barrier_id(%barrier3A)
    %eq3A = arith.constant 0 : i32
    %eq3A_14 = arith.cmpi eq, %arg0, %eq3A : i32
    %jit3A = arith.constant 80 : i32
    %jit3A_15 = arith.constant 80 : i32
    %select_n3A = arith.select %eq3A_14, %jit3A, %jit3A_15 : i32
    %mul3A_16 = arith.constant 1280 : i32
    %mul3A_17 = arith.muli %arg0, %mul3A_16 : i32
    %mul3A_18 = arith.muli %arg1, %select_n3A : i32
    %add3A_19 = arith.addi %mul3A_17, %mul3A_18 : i32
    %jit3A_20 = arith.constant 40 : i32
    %div3A = arith.divsi %select_n3A, %jit3A_20 : i32
    %sign3A = arith.constant 0 : i32
    %sign3A_21 = arith.cmpi sgt, %select_n3A, %sign3A : i32
    %sign3A_22 = arith.extui %sign3A_21 : i1 to i32
    %sign3A_23 = arith.constant 0 : i32
    %sign3A_24 = arith.cmpi slt, %select_n3A, %sign3A_23 : i32
    %sign3A_25 = arith.extui %sign3A_24 : i1 to i32
    %sign3A_26 = arith.subi %sign3A_22, %sign3A_25 : i32
    %sign3A_27 = arith.constant 0 : i32
    %sign3A_28 = arith.cmpi sgt, %jit3A_20, %sign3A_27 : i32
    %sign3A_29 = arith.extui %sign3A_28 : i1 to i32
    %sign3A_30 = arith.constant 0 : i32
    %sign3A_31 = arith.cmpi slt, %jit3A_20, %sign3A_30 : i32
    %sign3A_32 = arith.extui %sign3A_31 : i1 to i32
    %sign3A_33 = arith.subi %sign3A_29, %sign3A_32 : i32
    %ne3A = arith.cmpi ne, %sign3A_26, %sign3A_33 : i32
    %rem3A = arith.remsi %select_n3A, %jit3A_20 : i32
    %ne3A_34 = arith.constant 0 : i32
    %ne3A_35 = arith.cmpi ne, %rem3A, %ne3A_34 : i32
    %and3A = arith.andi %ne3A, %ne3A_35 : i1
    %sub3A = arith.constant 1 : i32
    %sub3A_36 = arith.subi %div3A, %sub3A : i32
    %select_n3A_37 = arith.select %and3A, %sub3A_36, %div3A : i32
    %sub3A_38 = arith.constant 0 : i32
    %sub3A_39 = arith.subi %select_n3A_37, %sub3A_38 : i32
    %sub3A_40 = arith.constant 1 : i32
    %sub3A_41 = arith.constant 1 : i32
    %sub3A_42 = arith.subi %sub3A_40, %sub3A_41 : i32
    %add3A_43 = arith.addi %sub3A_39, %sub3A_42 : i32
    %div3A_44 = arith.constant 1 : i32
    %div3A_45 = arith.divsi %add3A_43, %div3A_44 : i32
    %while3A = arith.constant 1 : i32
    %while3A_46 = arith.constant 0 : i32
    %while3A_47 = arith.constant 0 : i32
    %while3A_48 = arith.subi %div3A_45, %while3A_47 : i32
    %while3A_49 = arith.addi %while3A_47, %while3A_48 : i32
    %while3A_50 = arith.constant 1 : i32
    %while3A_51 = arith.divsi %while3A_48, %while3A_50 : i32
    %while3A_52 = arith.muli %while3A_51, %while3A_50 : i32
    %while3A_53 = arith.addi %while3A_47, %while3A_52 : i32
    %while3A_54 = arith.constant 1 : i32
    scf.for %while3A_82 = %while3A_47 to %while3A_53 step %while3A_54  : i32 {
      %mul3A_83 = arith.muli %while3A_82, %while3A : i32
      %add3A_84 = arith.addi %while3A_46, %mul3A_83 : i32
      %mul3A_85 = arith.constant 40 : i32
      %mul3A_86 = arith.muli %add3A_84, %mul3A_85 : i32
      %add3A_87 = arith.addi %add3A_19, %mul3A_86 : i32
      "tpu.region"() ({
        %run_scoped3A_111 = tpu.sem_alloc : memref<!tpu.dma_semaphore, #tpu.memory_space<semaphore_mem>>
        %dma_start3A_112 = arith.constant 0 : i32
        %dma_start3A_113 = tpu.memref_slice %arg3[%add3A_87, %dma_start3A_112] : memref<2560x128xi32, #tpu.memory_space<hbm>> -> memref<40x128xi32, #tpu.memory_space<hbm>>
        %dma_start3A_114 = arith.constant 0 : i32
        %dma_start3A_115 = tpu.memref_slice %arg3[%add3A_87, %dma_start3A_114] : memref<2560x128xi32, #tpu.memory_space<hbm>> -> memref<40x128xi32, #tpu.memory_space<hbm>>
        tpu.enqueue_dma source(%dma_start3A_115 : memref<40x128xi32, #tpu.memory_space<hbm>>) target(%arg6 : memref<40x128xi32, #tpu.memory_space<vmem>>) target_semaphore(%run_scoped3A_111 : memref<!tpu.dma_semaphore, #tpu.memory_space<semaphore_mem>>)
        %dma_wait3A_116 = arith.constant 0 : i32
        %dma_wait3A_117 = tpu.memref_slice %arg3[%add3A_87, %dma_wait3A_116] : memref<2560x128xi32, #tpu.memory_space<hbm>> -> memref<40x128xi32, #tpu.memory_space<hbm>>
        %dma_wait3A_118 = arith.constant 0 : i32
        %dma_wait3A_119 = tpu.memref_slice %arg3[%add3A_87, %dma_wait3A_118] : memref<2560x128xi32, #tpu.memory_space<hbm>> -> memref<40x128xi32, #tpu.memory_space<hbm>>
        tpu.wait_dma2 semaphore(%run_scoped3A_111 : memref<!tpu.dma_semaphore, #tpu.memory_space<semaphore_mem>>) src(%dma_wait3A_119 : memref<40x128xi32, #tpu.memory_space<hbm>>) dst(%arg6 : memref<40x128xi32, #tpu.memory_space<vmem>>)
        tpu.yield
      }) : () -> ()
      "tpu.region"() ({
        %run_scoped3A_111 = tpu.sem_alloc : memref<!tpu.dma_semaphore, #tpu.memory_space<semaphore_mem>>
        %dma_start3A_112 = arith.constant 0 : i32
        %dma_start3A_113 = tpu.memref_slice %arg4[%add3A_87, %dma_start3A_112] : memref<2560x128xi32, #tpu.memory_space<hbm>> -> memref<40x128xi32, #tpu.memory_space<hbm>>
        %dma_start3A_114 = arith.constant 0 : i32
        %dma_start3A_115 = tpu.memref_slice %arg4[%add3A_87, %dma_start3A_114] : memref<2560x128xi32, #tpu.memory_space<hbm>> -> memref<40x128xi32, #tpu.memory_space<hbm>>
        tpu.enqueue_dma source(%dma_start3A_115 : memref<40x128xi32, #tpu.memory_space<hbm>>) target(%arg7 : memref<40x128xi32, #tpu.memory_space<vmem>>) target_semaphore(%run_scoped3A_111 : memref<!tpu.dma_semaphore, #tpu.memory_space<semaphore_mem>>)
        %dma_wait3A_116 = arith.constant 0 : i32
        %dma_wait3A_117 = tpu.memref_slice %arg4[%add3A_87, %dma_wait3A_116] : memref<2560x128xi32, #tpu.memory_space<hbm>> -> memref<40x128xi32, #tpu.memory_space<hbm>>
        %dma_wait3A_118 = arith.constant 0 : i32
        %dma_wait3A_119 = tpu.memref_slice %arg4[%add3A_87, %dma_wait3A_118] : memref<2560x128xi32, #tpu.memory_space<hbm>> -> memref<40x128xi32, #tpu.memory_space<hbm>>
        tpu.wait_dma2 semaphore(%run_scoped3A_111 : memref<!tpu.dma_semaphore, #tpu.memory_space<semaphore_mem>>) src(%dma_wait3A_119 : memref<40x128xi32, #tpu.memory_space<hbm>>) dst(%arg7 : memref<40x128xi32, #tpu.memory_space<vmem>>)
        tpu.yield
      }) : () -> ()
      %dma_start3A = arith.constant 0 : i32
      %dma_start3A_88 = arith.constant 0 : i32
      %dma_start3A_89 = arith.constant 0 : i32
      %dma_start3A_90 = tpu.memref_slice %arg8[%dma_start3A_88, %dma_start3A_89] : memref<256x128xf32, #tpu.memory_space<vmem>> -> memref<128x128xf32, #tpu.memory_space<vmem>>
      %dma_start3A_91 = arith.constant 0 : i32
      %dma_start3A_92 = tpu.memref_slice %arg6[%dma_start3A, %dma_start3A_91] : memref<40x128xi32, #tpu.memory_space<vmem>> -> memref<1x128xi32, #tpu.memory_space<vmem>>
      %dma_start3A_93 = tpu.memref_squeeze %dma_start3A_92 : memref<1x128xi32, #tpu.memory_space<vmem>> -> memref<128xi32, #tpu.memory_space<vmem>>
      %dma_start3A_94 = arith.constant 0 : i32
      %dma_start3A_95 = arith.constant 0 : i32
      %dma_start3A_96 = tpu.memref_slice %arg2[%dma_start3A_94, %dma_start3A_95] : memref<10240x128xf32, #tpu.memory_space<hbm>> -> memref<10240x128xf32, #tpu.memory_space<hbm>>
      tpu.enqueue_indirect_dma source(%dma_start3A_96 : memref<10240x128xf32, #tpu.memory_space<hbm>>) target(%dma_start3A_90 : memref<128x128xf32, #tpu.memory_space<vmem>>) offsets(%dma_start3A_93 : memref<128xi32, #tpu.memory_space<vmem>>) semaphore(%arg11 : memref<!tpu.dma_semaphore, #tpu.memory_space<semaphore_mem>>)
      %scan3A_97 = arith.constant 0 : i32
      %scan3A_98 = arith.constant 20 : i32
      %scan3A_99 = arith.addi %scan3A_97, %scan3A_98 : i32
      %scan3A_100 = arith.constant 1 : i32
      scf.for %scan3A_111 = %scan3A_97 to %scan3A_99 step %scan3A_100  : i32 {
        %mul3A_112 = arith.constant 1 : i32
        %mul3A_113 = arith.muli %scan3A_111, %mul3A_112 : i32
        %add3A_114 = arith.constant 0 : i32
        %add3A_115 = arith.addi %add3A_114, %mul3A_113 : i32
        %mul3A_116 = arith.constant 2 : i32
        %mul3A_117 = arith.muli %mul3A_116, %add3A_115 : i32
        %mul3A_118 = arith.constant 2 : i32
        %mul3A_119 = arith.muli %mul3A_118, %add3A_115 : i32
        %add3A_120 = arith.constant 1 : i32
        %add3A_121 = arith.addi %mul3A_119, %add3A_120 : i32
        %mul3A_122 = arith.constant 2 : i32
        %mul3A_123 = arith.muli %mul3A_122, %add3A_115 : i32
        %add3A_124 = arith.constant 2 : i32
        %add3A_125 = arith.addi %mul3A_123, %add3A_124 : i32
        %min3A = arith.constant 39 : i32
        %min3A_126 = arith.minsi %add3A_125, %min3A : i32
        %dma_wait3A_127 = arith.constant 0 : i32
        %dma_wait3A_128 = arith.constant 0 : i32
        %dma_wait3A_129 = tpu.memref_slice %arg8[%dma_wait3A_127, %dma_wait3A_128] : memref<256x128xf32, #tpu.memory_space<vmem>> -> memref<128x128xf32, #tpu.memory_space<vmem>>
        %dma_wait3A_130 = arith.constant 0 : i32
        %dma_wait3A_131 = tpu.memref_slice %arg6[%mul3A_117, %dma_wait3A_130] : memref<40x128xi32, #tpu.memory_space<vmem>> -> memref<1x128xi32, #tpu.memory_space<vmem>>
        %dma_wait3A_132 = tpu.memref_squeeze %dma_wait3A_131 : memref<1x128xi32, #tpu.memory_space<vmem>> -> memref<128xi32, #tpu.memory_space<vmem>>
        %dma_wait3A_133 = arith.constant 0 : i32
        %dma_wait3A_134 = arith.constant 0 : i32
        %dma_wait3A_135 = tpu.memref_slice %arg2[%dma_wait3A_133, %dma_wait3A_134] : memref<10240x128xf32, #tpu.memory_space<hbm>> -> memref<10240x128xf32, #tpu.memory_space<hbm>>
        tpu.wait_indirect_dma semaphore(%arg11 : memref<!tpu.dma_semaphore, #tpu.memory_space<semaphore_mem>>) src(%dma_wait3A_135 : memref<10240x128xf32, #tpu.memory_space<hbm>>) dst(%dma_wait3A_129 : memref<128x128xf32, #tpu.memory_space<vmem>>)
        %dma_start3A_136 = arith.constant 128 : i32
        %dma_start3A_137 = arith.constant 0 : i32
        %dma_start3A_138 = tpu.memref_slice %arg8[%dma_start3A_136, %dma_start3A_137] : memref<256x128xf32, #tpu.memory_space<vmem>> -> memref<128x128xf32, #tpu.memory_space<vmem>>
        %dma_start3A_139 = arith.constant 0 : i32
        %dma_start3A_140 = tpu.memref_slice %arg6[%add3A_121, %dma_start3A_139] : memref<40x128xi32, #tpu.memory_space<vmem>> -> memref<1x128xi32, #tpu.memory_space<vmem>>
        %dma_start3A_141 = tpu.memref_squeeze %dma_start3A_140 : memref<1x128xi32, #tpu.memory_space<vmem>> -> memref<128xi32, #tpu.memory_space<vmem>>
        %dma_start3A_142 = arith.constant 0 : i32
        %dma_start3A_143 = arith.constant 0 : i32
        %dma_start3A_144 = tpu.memref_slice %arg2[%dma_start3A_142, %dma_start3A_143] : memref<10240x128xf32, #tpu.memory_space<hbm>> -> memref<10240x128xf32, #tpu.memory_space<hbm>>
        tpu.enqueue_indirect_dma source(%dma_start3A_144 : memref<10240x128xf32, #tpu.memory_space<hbm>>) target(%dma_start3A_138 : memref<128x128xf32, #tpu.memory_space<vmem>>) offsets(%dma_start3A_141 : memref<128xi32, #tpu.memory_space<vmem>>) semaphore(%arg12 : memref<!tpu.dma_semaphore, #tpu.memory_space<semaphore_mem>>)
        "tpu.region"() ({
          %run_scoped3A_163 = tpu.sem_alloc : memref<!tpu.dma_semaphore, #tpu.memory_space<semaphore_mem>>
          %dma_start3A_164 = arith.constant 0 : i32
          %dma_start3A_165 = arith.constant 0 : i32
          %dma_start3A_166 = tpu.memref_slice %arg8[%dma_start3A_164, %dma_start3A_165] : memref<256x128xf32, #tpu.memory_space<vmem>> -> memref<128x128xf32, #tpu.memory_space<vmem>>
          %dma_start3A_167 = arith.constant 0 : i32
          %dma_start3A_168 = tpu.memref_slice %arg7[%mul3A_117, %dma_start3A_167] : memref<40x128xi32, #tpu.memory_space<vmem>> -> memref<1x128xi32, #tpu.memory_space<vmem>>
          %dma_start3A_169 = tpu.memref_squeeze %dma_start3A_168 : memref<1x128xi32, #tpu.memory_space<vmem>> -> memref<128xi32, #tpu.memory_space<vmem>>
          %dma_start3A_170 = arith.constant 0 : i32
          %dma_start3A_171 = arith.constant 0 : i32
          %dma_start3A_172 = tpu.memref_slice %arg10[%dma_start3A_170, %dma_start3A_171] : memref<10240x128xf32, #tpu.memory_space<vmem_shared>> -> memref<10240x128xf32, #tpu.memory_space<vmem_shared>>
          tpu.enqueue_indirect_dma source(%dma_start3A_166 : memref<128x128xf32, #tpu.memory_space<vmem>>) target(%dma_start3A_172 : memref<10240x128xf32, #tpu.memory_space<vmem_shared>>) offsets(%dma_start3A_169 : memref<128xi32, #tpu.memory_space<vmem>>) semaphore(%run_scoped3A_163 : memref<!tpu.dma_semaphore, #tpu.memory_space<semaphore_mem>>) {add = true}
          %dma_wait3A_173 = arith.constant 0 : i32
          %dma_wait3A_174 = arith.constant 0 : i32
          %dma_wait3A_175 = tpu.memref_slice %arg8[%dma_wait3A_173, %dma_wait3A_174] : memref<256x128xf32, #tpu.memory_space<vmem>> -> memref<128x128xf32, #tpu.memory_space<vmem>>
          %dma_wait3A_176 = arith.constant 0 : i32
          %dma_wait3A_177 = tpu.memref_slice %arg7[%mul3A_117, %dma_wait3A_176] : memref<40x128xi32, #tpu.memory_space<vmem>> -> memref<1x128xi32, #tpu.memory_space<vmem>>
          %dma_wait3A_178 = tpu.memref_squeeze %dma_wait3A_177 : memref<1x128xi32, #tpu.memory_space<vmem>> -> memref<128xi32, #tpu.memory_space<vmem>>
          %dma_wait3A_179 = arith.constant 0 : i32
          %dma_wait3A_180 = arith.constant 0 : i32
          %dma_wait3A_181 = tpu.memref_slice %arg10[%dma_wait3A_179, %dma_wait3A_180] : memref<10240x128xf32, #tpu.memory_space<vmem_shared>> -> memref<10240x128xf32, #tpu.memory_space<vmem_shared>>
          tpu.wait_indirect_dma semaphore(%run_scoped3A_163 : memref<!tpu.dma_semaphore, #tpu.memory_space<semaphore_mem>>) src(%dma_wait3A_175 : memref<128x128xf32, #tpu.memory_space<vmem>>) dst(%dma_wait3A_181 : memref<10240x128xf32, #tpu.memory_space<vmem_shared>>)
          tpu.yield
        }) : () -> ()
        %dma_wait3A_145 = arith.constant 128 : i32
        %dma_wait3A_146 = arith.constant 0 : i32
        %dma_wait3A_147 = tpu.memref_slice %arg8[%dma_wait3A_145, %dma_wait3A_146] : memref<256x128xf32, #tpu.memory_space<vmem>> -> memref<128x128xf32, #tpu.memory_space<vmem>>
        %dma_wait3A_148 = arith.constant 0 : i32
        %dma_wait3A_149 = tpu.memref_slice %arg6[%add3A_121, %dma_wait3A_148] : memref<40x128xi32, #tpu.memory_space<vmem>> -> memref<1x128xi32, #tpu.memory_space<vmem>>
        %dma_wait3A_150 = tpu.memref_squeeze %dma_wait3A_149 : memref<1x128xi32, #tpu.memory_space<vmem>> -> memref<128xi32, #tpu.memory_space<vmem>>
        %dma_wait3A_151 = arith.constant 0 : i32
        %dma_wait3A_152 = arith.constant 0 : i32
        %dma_wait3A_153 = tpu.memref_slice %arg2[%dma_wait3A_151, %dma_wait3A_152] : memref<10240x128xf32, #tpu.memory_space<hbm>> -> memref<10240x128xf32, #tpu.memory_space<hbm>>
        tpu.wait_indirect_dma semaphore(%arg12 : memref<!tpu.dma_semaphore, #tpu.memory_space<semaphore_mem>>) src(%dma_wait3A_153 : memref<10240x128xf32, #tpu.memory_space<hbm>>) dst(%dma_wait3A_147 : memref<128x128xf32, #tpu.memory_space<vmem>>)
        %dma_start3A_154 = arith.constant 0 : i32
        %dma_start3A_155 = arith.constant 0 : i32
        %dma_start3A_156 = tpu.memref_slice %arg8[%dma_start3A_154, %dma_start3A_155] : memref<256x128xf32, #tpu.memory_space<vmem>> -> memref<128x128xf32, #tpu.memory_space<vmem>>
        %dma_start3A_157 = arith.constant 0 : i32
        %dma_start3A_158 = tpu.memref_slice %arg6[%min3A_126, %dma_start3A_157] : memref<40x128xi32, #tpu.memory_space<vmem>> -> memref<1x128xi32, #tpu.memory_space<vmem>>
        %dma_start3A_159 = tpu.memref_squeeze %dma_start3A_158 : memref<1x128xi32, #tpu.memory_space<vmem>> -> memref<128xi32, #tpu.memory_space<vmem>>
        %dma_start3A_160 = arith.constant 0 : i32
        %dma_start3A_161 = arith.constant 0 : i32
        %dma_start3A_162 = tpu.memref_slice %arg2[%dma_start3A_160, %dma_start3A_161] : memref<10240x128xf32, #tpu.memory_space<hbm>> -> memref<10240x128xf32, #tpu.memory_space<hbm>>
        tpu.enqueue_indirect_dma source(%dma_start3A_162 : memref<10240x128xf32, #tpu.memory_space<hbm>>) target(%dma_start3A_156 : memref<128x128xf32, #tpu.memory_space<vmem>>) offsets(%dma_start3A_159 : memref<128xi32, #tpu.memory_space<vmem>>) semaphore(%arg11 : memref<!tpu.dma_semaphore, #tpu.memory_space<semaphore_mem>>)
        "tpu.region"() ({
          %run_scoped3A_163 = tpu.sem_alloc : memref<!tpu.dma_semaphore, #tpu.memory_space<semaphore_mem>>
          %dma_start3A_164 = arith.constant 128 : i32
          %dma_start3A_165 = arith.constant 0 : i32
          %dma_start3A_166 = tpu.memref_slice %arg8[%dma_start3A_164, %dma_start3A_165] : memref<256x128xf32, #tpu.memory_space<vmem>> -> memref<128x128xf32, #tpu.memory_space<vmem>>
          %dma_start3A_167 = arith.constant 0 : i32
          %dma_start3A_168 = tpu.memref_slice %arg7[%add3A_121, %dma_start3A_167] : memref<40x128xi32, #tpu.memory_space<vmem>> -> memref<1x128xi32, #tpu.memory_space<vmem>>
          %dma_start3A_169 = tpu.memref_squeeze %dma_start3A_168 : memref<1x128xi32, #tpu.memory_space<vmem>> -> memref<128xi32, #tpu.memory_space<vmem>>
          %dma_start3A_170 = arith.constant 0 : i32
          %dma_start3A_171 = arith.constant 0 : i32
          %dma_start3A_172 = tpu.memref_slice %arg10[%dma_start3A_170, %dma_start3A_171] : memref<10240x128xf32, #tpu.memory_space<vmem_shared>> -> memref<10240x128xf32, #tpu.memory_space<vmem_shared>>
          tpu.enqueue_indirect_dma source(%dma_start3A_166 : memref<128x128xf32, #tpu.memory_space<vmem>>) target(%dma_start3A_172 : memref<10240x128xf32, #tpu.memory_space<vmem_shared>>) offsets(%dma_start3A_169 : memref<128xi32, #tpu.memory_space<vmem>>) semaphore(%run_scoped3A_163 : memref<!tpu.dma_semaphore, #tpu.memory_space<semaphore_mem>>) {add = true}
          %dma_wait3A_173 = arith.constant 128 : i32
          %dma_wait3A_174 = arith.constant 0 : i32
          %dma_wait3A_175 = tpu.memref_slice %arg8[%dma_wait3A_173, %dma_wait3A_174] : memref<256x128xf32, #tpu.memory_space<vmem>> -> memref<128x128xf32, #tpu.memory_space<vmem>>
          %dma_wait3A_176 = arith.constant 0 : i32
          %dma_wait3A_177 = tpu.memref_slice %arg7[%add3A_121, %dma_wait3A_176] : memref<40x128xi32, #tpu.memory_space<vmem>> -> memref<1x128xi32, #tpu.memory_space<vmem>>
          %dma_wait3A_178 = tpu.memref_squeeze %dma_wait3A_177 : memref<1x128xi32, #tpu.memory_space<vmem>> -> memref<128xi32, #tpu.memory_space<vmem>>
          %dma_wait3A_179 = arith.constant 0 : i32
          %dma_wait3A_180 = arith.constant 0 : i32
          %dma_wait3A_181 = tpu.memref_slice %arg10[%dma_wait3A_179, %dma_wait3A_180] : memref<10240x128xf32, #tpu.memory_space<vmem_shared>> -> memref<10240x128xf32, #tpu.memory_space<vmem_shared>>
          tpu.wait_indirect_dma semaphore(%run_scoped3A_163 : memref<!tpu.dma_semaphore, #tpu.memory_space<semaphore_mem>>) src(%dma_wait3A_175 : memref<128x128xf32, #tpu.memory_space<vmem>>) dst(%dma_wait3A_181 : memref<10240x128xf32, #tpu.memory_space<vmem_shared>>)
          tpu.yield
        }) : () -> ()
      }
      %scan3A_101 = arith.constant 20 : i32
      %dma_wait3A = arith.constant 39 : i32
      %dma_wait3A_102 = arith.constant 0 : i32
      %dma_wait3A_103 = arith.constant 0 : i32
      %dma_wait3A_104 = tpu.memref_slice %arg8[%dma_wait3A_102, %dma_wait3A_103] : memref<256x128xf32, #tpu.memory_space<vmem>> -> memref<128x128xf32, #tpu.memory_space<vmem>>
      %dma_wait3A_105 = arith.constant 0 : i32
      %dma_wait3A_106 = tpu.memref_slice %arg6[%dma_wait3A, %dma_wait3A_105] : memref<40x128xi32, #tpu.memory_space<vmem>> -> memref<1x128xi32, #tpu.memory_space<vmem>>
      %dma_wait3A_107 = tpu.memref_squeeze %dma_wait3A_106 : memref<1x128xi32, #tpu.memory_space<vmem>> -> memref<128xi32, #tpu.memory_space<vmem>>
      %dma_wait3A_108 = arith.constant 0 : i32
      %dma_wait3A_109 = arith.constant 0 : i32
      %dma_wait3A_110 = tpu.memref_slice %arg2[%dma_wait3A_108, %dma_wait3A_109] : memref<10240x128xf32, #tpu.memory_space<hbm>> -> memref<10240x128xf32, #tpu.memory_space<hbm>>
      tpu.wait_indirect_dma semaphore(%arg11 : memref<!tpu.dma_semaphore, #tpu.memory_space<semaphore_mem>>) src(%dma_wait3A_110 : memref<10240x128xf32, #tpu.memory_space<hbm>>) dst(%dma_wait3A_104 : memref<128x128xf32, #tpu.memory_space<vmem>>)
    }
    %while3A_55 = arith.constant 1 : i32
    scf.for %while3A_82 = %while3A_53 to %while3A_49 step %while3A_55  : i32 {
      %mul3A_83 = arith.muli %while3A_82, %while3A : i32
      %add3A_84 = arith.addi %while3A_46, %mul3A_83 : i32
      %mul3A_85 = arith.constant 40 : i32
      %mul3A_86 = arith.muli %add3A_84, %mul3A_85 : i32
      %add3A_87 = arith.addi %add3A_19, %mul3A_86 : i32
      "tpu.region"() ({
        %run_scoped3A_111 = tpu.sem_alloc : memref<!tpu.dma_semaphore, #tpu.memory_space<semaphore_mem>>
        %dma_start3A_112 = arith.constant 0 : i32
        %dma_start3A_113 = tpu.memref_slice %arg3[%add3A_87, %dma_start3A_112] : memref<2560x128xi32, #tpu.memory_space<hbm>> -> memref<40x128xi32, #tpu.memory_space<hbm>>
        %dma_start3A_114 = arith.constant 0 : i32
        %dma_start3A_115 = tpu.memref_slice %arg3[%add3A_87, %dma_start3A_114] : memref<2560x128xi32, #tpu.memory_space<hbm>> -> memref<40x128xi32, #tpu.memory_space<hbm>>
        tpu.enqueue_dma source(%dma_start3A_115 : memref<40x128xi32, #tpu.memory_space<hbm>>) target(%arg6 : memref<40x128xi32, #tpu.memory_space<vmem>>) target_semaphore(%run_scoped3A_111 : memref<!tpu.dma_semaphore, #tpu.memory_space<semaphore_mem>>)
        %dma_wait3A_116 = arith.constant 0 : i32
        %dma_wait3A_117 = tpu.memref_slice %arg3[%add3A_87, %dma_wait3A_116] : memref<2560x128xi32, #tpu.memory_space<hbm>> -> memref<40x128xi32, #tpu.memory_space<hbm>>
        %dma_wait3A_118 = arith.constant 0 : i32
        %dma_wait3A_119 = tpu.memref_slice %arg3[%add3A_87, %dma_wait3A_118] : memref<2560x128xi32, #tpu.memory_space<hbm>> -> memref<40x128xi32, #tpu.memory_space<hbm>>
        tpu.wait_dma2 semaphore(%run_scoped3A_111 : memref<!tpu.dma_semaphore, #tpu.memory_space<semaphore_mem>>) src(%dma_wait3A_119 : memref<40x128xi32, #tpu.memory_space<hbm>>) dst(%arg6 : memref<40x128xi32, #tpu.memory_space<vmem>>)
        tpu.yield
      }) : () -> ()
      "tpu.region"() ({
        %run_scoped3A_111 = tpu.sem_alloc : memref<!tpu.dma_semaphore, #tpu.memory_space<semaphore_mem>>
        %dma_start3A_112 = arith.constant 0 : i32
        %dma_start3A_113 = tpu.memref_slice %arg4[%add3A_87, %dma_start3A_112] : memref<2560x128xi32, #tpu.memory_space<hbm>> -> memref<40x128xi32, #tpu.memory_space<hbm>>
        %dma_start3A_114 = arith.constant 0 : i32
        %dma_start3A_115 = tpu.memref_slice %arg4[%add3A_87, %dma_start3A_114] : memref<2560x128xi32, #tpu.memory_space<hbm>> -> memref<40x128xi32, #tpu.memory_space<hbm>>
        tpu.enqueue_dma source(%dma_start3A_115 : memref<40x128xi32, #tpu.memory_space<hbm>>) target(%arg7 : memref<40x128xi32, #tpu.memory_space<vmem>>) target_semaphore(%run_scoped3A_111 : memref<!tpu.dma_semaphore, #tpu.memory_space<semaphore_mem>>)
        %dma_wait3A_116 = arith.constant 0 : i32
        %dma_wait3A_117 = tpu.memref_slice %arg4[%add3A_87, %dma_wait3A_116] : memref<2560x128xi32, #tpu.memory_space<hbm>> -> memref<40x128xi32, #tpu.memory_space<hbm>>
        %dma_wait3A_118 = arith.constant 0 : i32
        %dma_wait3A_119 = tpu.memref_slice %arg4[%add3A_87, %dma_wait3A_118] : memref<2560x128xi32, #tpu.memory_space<hbm>> -> memref<40x128xi32, #tpu.memory_space<hbm>>
        tpu.wait_dma2 semaphore(%run_scoped3A_111 : memref<!tpu.dma_semaphore, #tpu.memory_space<semaphore_mem>>) src(%dma_wait3A_119 : memref<40x128xi32, #tpu.memory_space<hbm>>) dst(%arg7 : memref<40x128xi32, #tpu.memory_space<vmem>>)
        tpu.yield
      }) : () -> ()
      %dma_start3A = arith.constant 0 : i32
      %dma_start3A_88 = arith.constant 0 : i32
      %dma_start3A_89 = arith.constant 0 : i32
      %dma_start3A_90 = tpu.memref_slice %arg8[%dma_start3A_88, %dma_start3A_89] : memref<256x128xf32, #tpu.memory_space<vmem>> -> memref<128x128xf32, #tpu.memory_space<vmem>>
      %dma_start3A_91 = arith.constant 0 : i32
      %dma_start3A_92 = tpu.memref_slice %arg6[%dma_start3A, %dma_start3A_91] : memref<40x128xi32, #tpu.memory_space<vmem>> -> memref<1x128xi32, #tpu.memory_space<vmem>>
      %dma_start3A_93 = tpu.memref_squeeze %dma_start3A_92 : memref<1x128xi32, #tpu.memory_space<vmem>> -> memref<128xi32, #tpu.memory_space<vmem>>
      %dma_start3A_94 = arith.constant 0 : i32
      %dma_start3A_95 = arith.constant 0 : i32
      %dma_start3A_96 = tpu.memref_slice %arg2[%dma_start3A_94, %dma_start3A_95] : memref<10240x128xf32, #tpu.memory_space<hbm>> -> memref<10240x128xf32, #tpu.memory_space<hbm>>
      tpu.enqueue_indirect_dma source(%dma_start3A_96 : memref<10240x128xf32, #tpu.memory_space<hbm>>) target(%dma_start3A_90 : memref<128x128xf32, #tpu.memory_space<vmem>>) offsets(%dma_start3A_93 : memref<128xi32, #tpu.memory_space<vmem>>) semaphore(%arg11 : memref<!tpu.dma_semaphore, #tpu.memory_space<semaphore_mem>>)
      %scan3A_97 = arith.constant 0 : i32
      %scan3A_98 = arith.constant 20 : i32
      %scan3A_99 = arith.addi %scan3A_97, %scan3A_98 : i32
      %scan3A_100 = arith.constant 1 : i32
      scf.for %scan3A_111 = %scan3A_97 to %scan3A_99 step %scan3A_100  : i32 {
        %mul3A_112 = arith.constant 1 : i32
        %mul3A_113 = arith.muli %scan3A_111, %mul3A_112 : i32
        %add3A_114 = arith.constant 0 : i32
        %add3A_115 = arith.addi %add3A_114, %mul3A_113 : i32
        %mul3A_116 = arith.constant 2 : i32
        %mul3A_117 = arith.muli %mul3A_116, %add3A_115 : i32
        %mul3A_118 = arith.constant 2 : i32
        %mul3A_119 = arith.muli %mul3A_118, %add3A_115 : i32
        %add3A_120 = arith.constant 1 : i32
        %add3A_121 = arith.addi %mul3A_119, %add3A_120 : i32
        %mul3A_122 = arith.constant 2 : i32
        %mul3A_123 = arith.muli %mul3A_122, %add3A_115 : i32
        %add3A_124 = arith.constant 2 : i32
        %add3A_125 = arith.addi %mul3A_123, %add3A_124 : i32
        %min3A = arith.constant 39 : i32
        %min3A_126 = arith.minsi %add3A_125, %min3A : i32
        %dma_wait3A_127 = arith.constant 0 : i32
        %dma_wait3A_128 = arith.constant 0 : i32
        %dma_wait3A_129 = tpu.memref_slice %arg8[%dma_wait3A_127, %dma_wait3A_128] : memref<256x128xf32, #tpu.memory_space<vmem>> -> memref<128x128xf32, #tpu.memory_space<vmem>>
        %dma_wait3A_130 = arith.constant 0 : i32
        %dma_wait3A_131 = tpu.memref_slice %arg6[%mul3A_117, %dma_wait3A_130] : memref<40x128xi32, #tpu.memory_space<vmem>> -> memref<1x128xi32, #tpu.memory_space<vmem>>
        %dma_wait3A_132 = tpu.memref_squeeze %dma_wait3A_131 : memref<1x128xi32, #tpu.memory_space<vmem>> -> memref<128xi32, #tpu.memory_space<vmem>>
        %dma_wait3A_133 = arith.constant 0 : i32
        %dma_wait3A_134 = arith.constant 0 : i32
        %dma_wait3A_135 = tpu.memref_slice %arg2[%dma_wait3A_133, %dma_wait3A_134] : memref<10240x128xf32, #tpu.memory_space<hbm>> -> memref<10240x128xf32, #tpu.memory_space<hbm>>
        tpu.wait_indirect_dma semaphore(%arg11 : memref<!tpu.dma_semaphore, #tpu.memory_space<semaphore_mem>>) src(%dma_wait3A_135 : memref<10240x128xf32, #tpu.memory_space<hbm>>) dst(%dma_wait3A_129 : memref<128x128xf32, #tpu.memory_space<vmem>>)
        %dma_start3A_136 = arith.constant 128 : i32
        %dma_start3A_137 = arith.constant 0 : i32
        %dma_start3A_138 = tpu.memref_slice %arg8[%dma_start3A_136, %dma_start3A_137] : memref<256x128xf32, #tpu.memory_space<vmem>> -> memref<128x128xf32, #tpu.memory_space<vmem>>
        %dma_start3A_139 = arith.constant 0 : i32
        %dma_start3A_140 = tpu.memref_slice %arg6[%add3A_121, %dma_start3A_139] : memref<40x128xi32, #tpu.memory_space<vmem>> -> memref<1x128xi32, #tpu.memory_space<vmem>>
        %dma_start3A_141 = tpu.memref_squeeze %dma_start3A_140 : memref<1x128xi32, #tpu.memory_space<vmem>> -> memref<128xi32, #tpu.memory_space<vmem>>
        %dma_start3A_142 = arith.constant 0 : i32
        %dma_start3A_143 = arith.constant 0 : i32
        %dma_start3A_144 = tpu.memref_slice %arg2[%dma_start3A_142, %dma_start3A_143] : memref<10240x128xf32, #tpu.memory_space<hbm>> -> memref<10240x128xf32, #tpu.memory_space<hbm>>
        tpu.enqueue_indirect_dma source(%dma_start3A_144 : memref<10240x128xf32, #tpu.memory_space<hbm>>) target(%dma_start3A_138 : memref<128x128xf32, #tpu.memory_space<vmem>>) offsets(%dma_start3A_141 : memref<128xi32, #tpu.memory_space<vmem>>) semaphore(%arg12 : memref<!tpu.dma_semaphore, #tpu.memory_space<semaphore_mem>>)
        "tpu.region"() ({
          %run_scoped3A_163 = tpu.sem_alloc : memref<!tpu.dma_semaphore, #tpu.memory_space<semaphore_mem>>
          %dma_start3A_164 = arith.constant 0 : i32
          %dma_start3A_165 = arith.constant 0 : i32
          %dma_start3A_166 = tpu.memref_slice %arg8[%dma_start3A_164, %dma_start3A_165] : memref<256x128xf32, #tpu.memory_space<vmem>> -> memref<128x128xf32, #tpu.memory_space<vmem>>
          %dma_start3A_167 = arith.constant 0 : i32
          %dma_start3A_168 = tpu.memref_slice %arg7[%mul3A_117, %dma_start3A_167] : memref<40x128xi32, #tpu.memory_space<vmem>> -> memref<1x128xi32, #tpu.memory_space<vmem>>
          %dma_start3A_169 = tpu.memref_squeeze %dma_start3A_168 : memref<1x128xi32, #tpu.memory_space<vmem>> -> memref<128xi32, #tpu.memory_space<vmem>>
          %dma_start3A_170 = arith.constant 0 : i32
          %dma_start3A_171 = arith.constant 0 : i32
          %dma_start3A_172 = tpu.memref_slice %arg10[%dma_start3A_170, %dma_start3A_171] : memref<10240x128xf32, #tpu.memory_space<vmem_shared>> -> memref<10240x128xf32, #tpu.memory_space<vmem_shared>>
          tpu.enqueue_indirect_dma source(%dma_start3A_166 : memref<128x128xf32, #tpu.memory_space<vmem>>) target(%dma_start3A_172 : memref<10240x128xf32, #tpu.memory_space<vmem_shared>>) offsets(%dma_start3A_169 : memref<128xi32, #tpu.memory_space<vmem>>) semaphore(%run_scoped3A_163 : memref<!tpu.dma_semaphore, #tpu.memory_space<semaphore_mem>>) {add = true}
          %dma_wait3A_173 = arith.constant 0 : i32
          %dma_wait3A_174 = arith.constant 0 : i32
          %dma_wait3A_175 = tpu.memref_slice %arg8[%dma_wait3A_173, %dma_wait3A_174] : memref<256x128xf32, #tpu.memory_space<vmem>> -> memref<128x128xf32, #tpu.memory_space<vmem>>
          %dma_wait3A_176 = arith.constant 0 : i32
          %dma_wait3A_177 = tpu.memref_slice %arg7[%mul3A_117, %dma_wait3A_176] : memref<40x128xi32, #tpu.memory_space<vmem>> -> memref<1x128xi32, #tpu.memory_space<vmem>>
          %dma_wait3A_178 = tpu.memref_squeeze %dma_wait3A_177 : memref<1x128xi32, #tpu.memory_space<vmem>> -> memref<128xi32, #tpu.memory_space<vmem>>
          %dma_wait3A_179 = arith.constant 0 : i32
          %dma_wait3A_180 = arith.constant 0 : i32
          %dma_wait3A_181 = tpu.memref_slice %arg10[%dma_wait3A_179, %dma_wait3A_180] : memref<10240x128xf32, #tpu.memory_space<vmem_shared>> -> memref<10240x128xf32, #tpu.memory_space<vmem_shared>>
          tpu.wait_indirect_dma semaphore(%run_scoped3A_163 : memref<!tpu.dma_semaphore, #tpu.memory_space<semaphore_mem>>) src(%dma_wait3A_175 : memref<128x128xf32, #tpu.memory_space<vmem>>) dst(%dma_wait3A_181 : memref<10240x128xf32, #tpu.memory_space<vmem_shared>>)
          tpu.yield
        }) : () -> ()
        %dma_wait3A_145 = arith.constant 128 : i32
        %dma_wait3A_146 = arith.constant 0 : i32
        %dma_wait3A_147 = tpu.memref_slice %arg8[%dma_wait3A_145, %dma_wait3A_146] : memref<256x128xf32, #tpu.memory_space<vmem>> -> memref<128x128xf32, #tpu.memory_space<vmem>>
        %dma_wait3A_148 = arith.constant 0 : i32
        %dma_wait3A_149 = tpu.memref_slice %arg6[%add3A_121, %dma_wait3A_148] : memref<40x128xi32, #tpu.memory_space<vmem>> -> memref<1x128xi32, #tpu.memory_space<vmem>>
        %dma_wait3A_150 = tpu.memref_squeeze %dma_wait3A_149 : memref<1x128xi32, #tpu.memory_space<vmem>> -> memref<128xi32, #tpu.memory_space<vmem>>
        %dma_wait3A_151 = arith.constant 0 : i32
        %dma_wait3A_152 = arith.constant 0 : i32
        %dma_wait3A_153 = tpu.memref_slice %arg2[%dma_wait3A_151, %dma_wait3A_152] : memref<10240x128xf32, #tpu.memory_space<hbm>> -> memref<10240x128xf32, #tpu.memory_space<hbm>>
        tpu.wait_indirect_dma semaphore(%arg12 : memref<!tpu.dma_semaphore, #tpu.memory_space<semaphore_mem>>) src(%dma_wait3A_153 : memref<10240x128xf32, #tpu.memory_space<hbm>>) dst(%dma_wait3A_147 : memref<128x128xf32, #tpu.memory_space<vmem>>)
        %dma_start3A_154 = arith.constant 0 : i32
        %dma_start3A_155 = arith.constant 0 : i32
        %dma_start3A_156 = tpu.memref_slice %arg8[%dma_start3A_154, %dma_start3A_155] : memref<256x128xf32, #tpu.memory_space<vmem>> -> memref<128x128xf32, #tpu.memory_space<vmem>>
        %dma_start3A_157 = arith.constant 0 : i32
        %dma_start3A_158 = tpu.memref_slice %arg6[%min3A_126, %dma_start3A_157] : memref<40x128xi32, #tpu.memory_space<vmem>> -> memref<1x128xi32, #tpu.memory_space<vmem>>
        %dma_start3A_159 = tpu.memref_squeeze %dma_start3A_158 : memref<1x128xi32, #tpu.memory_space<vmem>> -> memref<128xi32, #tpu.memory_space<vmem>>
        %dma_start3A_160 = arith.constant 0 : i32
        %dma_start3A_161 = arith.constant 0 : i32
        %dma_start3A_162 = tpu.memref_slice %arg2[%dma_start3A_160, %dma_start3A_161] : memref<10240x128xf32, #tpu.memory_space<hbm>> -> memref<10240x128xf32, #tpu.memory_space<hbm>>
        tpu.enqueue_indirect_dma source(%dma_start3A_162 : memref<10240x128xf32, #tpu.memory_space<hbm>>) target(%dma_start3A_156 : memref<128x128xf32, #tpu.memory_space<vmem>>) offsets(%dma_start3A_159 : memref<128xi32, #tpu.memory_space<vmem>>) semaphore(%arg11 : memref<!tpu.dma_semaphore, #tpu.memory_space<semaphore_mem>>)
        "tpu.region"() ({
          %run_scoped3A_163 = tpu.sem_alloc : memref<!tpu.dma_semaphore, #tpu.memory_space<semaphore_mem>>
          %dma_start3A_164 = arith.constant 128 : i32
          %dma_start3A_165 = arith.constant 0 : i32
          %dma_start3A_166 = tpu.memref_slice %arg8[%dma_start3A_164, %dma_start3A_165] : memref<256x128xf32, #tpu.memory_space<vmem>> -> memref<128x128xf32, #tpu.memory_space<vmem>>
          %dma_start3A_167 = arith.constant 0 : i32
          %dma_start3A_168 = tpu.memref_slice %arg7[%add3A_121, %dma_start3A_167] : memref<40x128xi32, #tpu.memory_space<vmem>> -> memref<1x128xi32, #tpu.memory_space<vmem>>
          %dma_start3A_169 = tpu.memref_squeeze %dma_start3A_168 : memref<1x128xi32, #tpu.memory_space<vmem>> -> memref<128xi32, #tpu.memory_space<vmem>>
          %dma_start3A_170 = arith.constant 0 : i32
          %dma_start3A_171 = arith.constant 0 : i32
          %dma_start3A_172 = tpu.memref_slice %arg10[%dma_start3A_170, %dma_start3A_171] : memref<10240x128xf32, #tpu.memory_space<vmem_shared>> -> memref<10240x128xf32, #tpu.memory_space<vmem_shared>>
          tpu.enqueue_indirect_dma source(%dma_start3A_166 : memref<128x128xf32, #tpu.memory_space<vmem>>) target(%dma_start3A_172 : memref<10240x128xf32, #tpu.memory_space<vmem_shared>>) offsets(%dma_start3A_169 : memref<128xi32, #tpu.memory_space<vmem>>) semaphore(%run_scoped3A_163 : memref<!tpu.dma_semaphore, #tpu.memory_space<semaphore_mem>>) {add = true}
          %dma_wait3A_173 = arith.constant 128 : i32
          %dma_wait3A_174 = arith.constant 0 : i32
          %dma_wait3A_175 = tpu.memref_slice %arg8[%dma_wait3A_173, %dma_wait3A_174] : memref<256x128xf32, #tpu.memory_space<vmem>> -> memref<128x128xf32, #tpu.memory_space<vmem>>
          %dma_wait3A_176 = arith.constant 0 : i32
          %dma_wait3A_177 = tpu.memref_slice %arg7[%add3A_121, %dma_wait3A_176] : memref<40x128xi32, #tpu.memory_space<vmem>> -> memref<1x128xi32, #tpu.memory_space<vmem>>
          %dma_wait3A_178 = tpu.memref_squeeze %dma_wait3A_177 : memref<1x128xi32, #tpu.memory_space<vmem>> -> memref<128xi32, #tpu.memory_space<vmem>>
          %dma_wait3A_179 = arith.constant 0 : i32
          %dma_wait3A_180 = arith.constant 0 : i32
          %dma_wait3A_181 = tpu.memref_slice %arg10[%dma_wait3A_179, %dma_wait3A_180] : memref<10240x128xf32, #tpu.memory_space<vmem_shared>> -> memref<10240x128xf32, #tpu.memory_space<vmem_shared>>
          tpu.wait_indirect_dma semaphore(%run_scoped3A_163 : memref<!tpu.dma_semaphore, #tpu.memory_space<semaphore_mem>>) src(%dma_wait3A_175 : memref<128x128xf32, #tpu.memory_space<vmem>>) dst(%dma_wait3A_181 : memref<10240x128xf32, #tpu.memory_space<vmem_shared>>)
          tpu.yield
        }) : () -> ()
      }
      %scan3A_101 = arith.constant 20 : i32
      %dma_wait3A = arith.constant 39 : i32
      %dma_wait3A_102 = arith.constant 0 : i32
      %dma_wait3A_103 = arith.constant 0 : i32
      %dma_wait3A_104 = tpu.memref_slice %arg8[%dma_wait3A_102, %dma_wait3A_103] : memref<256x128xf32, #tpu.memory_space<vmem>> -> memref<128x128xf32, #tpu.memory_space<vmem>>
      %dma_wait3A_105 = arith.constant 0 : i32
      %dma_wait3A_106 = tpu.memref_slice %arg6[%dma_wait3A, %dma_wait3A_105] : memref<40x128xi32, #tpu.memory_space<vmem>> -> memref<1x128xi32, #tpu.memory_space<vmem>>
      %dma_wait3A_107 = tpu.memref_squeeze %dma_wait3A_106 : memref<1x128xi32, #tpu.memory_space<vmem>> -> memref<128xi32, #tpu.memory_space<vmem>>
      %dma_wait3A_108 = arith.constant 0 : i32
      %dma_wait3A_109 = arith.constant 0 : i32
      %dma_wait3A_110 = tpu.memref_slice %arg2[%dma_wait3A_108, %dma_wait3A_109] : memref<10240x128xf32, #tpu.memory_space<hbm>> -> memref<10240x128xf32, #tpu.memory_space<hbm>>
      tpu.wait_indirect_dma semaphore(%arg11 : memref<!tpu.dma_semaphore, #tpu.memory_space<semaphore_mem>>) src(%dma_wait3A_110 : memref<10240x128xf32, #tpu.memory_space<hbm>>) dst(%dma_wait3A_104 : memref<128x128xf32, #tpu.memory_space<vmem>>)
    }
    %barrier3A_56 = arith.constant 0 : index
    tpu.barrier barrier_id(%barrier3A_56)
    %run_scoped3A_57 = arith.constant 0 : i32
    "tpu.region"() ({
      %run_scoped3A_82 = tpu.sem_alloc : memref<!tpu.dma_semaphore, #tpu.memory_space<semaphore_mem>>
      %dma_start3A = arith.constant 0 : i32
      %dma_start3A_83 = arith.constant 0 : i32
      %dma_start3A_84 = tpu.memref_slice %arg8[%dma_start3A, %dma_start3A_83] : memref<256x128xf32, #tpu.memory_space<vmem>> -> memref<128x128xf32, #tpu.memory_space<vmem>>
      %dma_start3A_85 = arith.constant 0 : i32
      %dma_start3A_86 = tpu.memref_slice %arg9[%run_scoped3A_57, %dma_start3A_85] : memref<5x128xi32, #tpu.memory_space<vmem>> -> memref<1x128xi32, #tpu.memory_space<vmem>>
      %dma_start3A_87 = tpu.memref_squeeze %dma_start3A_86 : memref<1x128xi32, #tpu.memory_space<vmem>> -> memref<128xi32, #tpu.memory_space<vmem>>
      %dma_start3A_88 = arith.constant 0 : i32
      %dma_start3A_89 = arith.constant 0 : i32
      %dma_start3A_90 = tpu.memref_slice %arg10[%dma_start3A_88, %dma_start3A_89] : memref<10240x128xf32, #tpu.memory_space<vmem_shared>> -> memref<10240x128xf32, #tpu.memory_space<vmem_shared>>
      tpu.enqueue_indirect_dma source(%dma_start3A_90 : memref<10240x128xf32, #tpu.memory_space<vmem_shared>>) target(%dma_start3A_84 : memref<128x128xf32, #tpu.memory_space<vmem>>) offsets(%dma_start3A_87 : memref<128xi32, #tpu.memory_space<vmem>>) semaphore(%run_scoped3A_82 : memref<!tpu.dma_semaphore, #tpu.memory_space<semaphore_mem>>)
      %dma_wait3A = arith.constant 0 : i32
      %dma_wait3A_91 = arith.constant 0 : i32
      %dma_wait3A_92 = tpu.memref_slice %arg8[%dma_wait3A, %dma_wait3A_91] : memref<256x128xf32, #tpu.memory_space<vmem>> -> memref<128x128xf32, #tpu.memory_space<vmem>>
      %dma_wait3A_93 = arith.constant 0 : i32
      %dma_wait3A_94 = tpu.memref_slice %arg9[%run_scoped3A_57, %dma_wait3A_93] : memref<5x128xi32, #tpu.memory_space<vmem>> -> memref<1x128xi32, #tpu.memory_space<vmem>>
      %dma_wait3A_95 = tpu.memref_squeeze %dma_wait3A_94 : memref<1x128xi32, #tpu.memory_space<vmem>> -> memref<128xi32, #tpu.memory_space<vmem>>
      %dma_wait3A_96 = arith.constant 0 : i32
      %dma_wait3A_97 = arith.constant 0 : i32
      %dma_wait3A_98 = tpu.memref_slice %arg10[%dma_wait3A_96, %dma_wait3A_97] : memref<10240x128xf32, #tpu.memory_space<vmem_shared>> -> memref<10240x128xf32, #tpu.memory_space<vmem_shared>>
      tpu.wait_indirect_dma semaphore(%run_scoped3A_82 : memref<!tpu.dma_semaphore, #tpu.memory_space<semaphore_mem>>) src(%dma_wait3A_98 : memref<10240x128xf32, #tpu.memory_space<vmem_shared>>) dst(%dma_wait3A_92 : memref<128x128xf32, #tpu.memory_space<vmem>>)
      tpu.yield
    }) : () -> ()
    %mul3A_58 = arith.constant 640 : i32
    %mul3A_59 = arith.muli %arg1, %mul3A_58 : i32
    %add3A_60 = arith.constant 0 : i32
    %add3A_61 = arith.addi %mul3A_59, %add3A_60 : i32
    "tpu.region"() ({
      %run_scoped3A_82 = tpu.sem_alloc : memref<!tpu.dma_semaphore, #tpu.memory_space<semaphore_mem>>
      %dma_start3A = arith.constant 0 : i32
      %dma_start3A_83 = arith.constant 0 : i32
      %dma_start3A_84 = tpu.memref_slice %arg8[%dma_start3A, %dma_start3A_83] : memref<256x128xf32, #tpu.memory_space<vmem>> -> memref<128x128xf32, #tpu.memory_space<vmem>>
      %dma_start3A_85 = arith.constant 0 : i32
      %dma_start3A_86 = tpu.memref_slice %arg5[%arg0, %add3A_61, %dma_start3A_85] : memref<2x10240x128xf32, #tpu.memory_space<hbm>> -> memref<1x128x128xf32, #tpu.memory_space<hbm>>
      %dma_start3A_87 = tpu.memref_squeeze %dma_start3A_86 : memref<1x128x128xf32, #tpu.memory_space<hbm>> -> memref<128x128xf32, #tpu.memory_space<hbm>>
      %dma_start3A_88 = arith.constant 0 : i32
      %dma_start3A_89 = tpu.memref_slice %arg5[%arg0, %add3A_61, %dma_start3A_88] : memref<2x10240x128xf32, #tpu.memory_space<hbm>> -> memref<1x128x128xf32, #tpu.memory_space<hbm>>
      %dma_start3A_90 = tpu.memref_squeeze %dma_start3A_89 : memref<1x128x128xf32, #tpu.memory_space<hbm>> -> memref<128x128xf32, #tpu.memory_space<hbm>>
      %dma_start3A_91 = arith.constant 0 : i32
      %dma_start3A_92 = arith.constant 0 : i32
      %dma_start3A_93 = tpu.memref_slice %arg8[%dma_start3A_91, %dma_start3A_92] : memref<256x128xf32, #tpu.memory_space<vmem>> -> memref<128x128xf32, #tpu.memory_space<vmem>>
      tpu.enqueue_dma source(%dma_start3A_93 : memref<128x128xf32, #tpu.memory_space<vmem>>) target(%dma_start3A_90 : memref<128x128xf32, #tpu.memory_space<hbm>>) target_semaphore(%run_scoped3A_82 : memref<!tpu.dma_semaphore, #tpu.memory_space<semaphore_mem>>)
      %dma_wait3A = arith.constant 0 : i32
      %dma_wait3A_94 = arith.constant 0 : i32
      %dma_wait3A_95 = tpu.memref_slice %arg8[%dma_wait3A, %dma_wait3A_94] : memref<256x128xf32, #tpu.memory_space<vmem>> -> memref<128x128xf32, #tpu.memory_space<vmem>>
      %dma_wait3A_96 = arith.constant 0 : i32
      %dma_wait3A_97 = tpu.memref_slice %arg5[%arg0, %add3A_61, %dma_wait3A_96] : memref<2x10240x128xf32, #tpu.memory_space<hbm>> -> memref<1x128x128xf32, #tpu.memory_space<hbm>>
      %dma_wait3A_98 = tpu.memref_squeeze %dma_wait3A_97 : memref<1x128x128xf32, #tpu.memory_space<hbm>> -> memref<128x128xf32, #tpu.memory_space<hbm>>
      %dma_wait3A_99 = arith.constant 0 : i32
      %dma_wait3A_100 = tpu.memref_slice %arg5[%arg0, %add3A_61, %dma_wait3A_99] : memref<2x10240x128xf32, #tpu.memory_space<hbm>> -> memref<1x128x128xf32, #tpu.memory_space<hbm>>
      %dma_wait3A_101 = tpu.memref_squeeze %dma_wait3A_100 : memref<1x128x128xf32, #tpu.memory_space<hbm>> -> memref<128x128xf32, #tpu.memory_space<hbm>>
      %dma_wait3A_102 = arith.constant 0 : i32
      %dma_wait3A_103 = arith.constant 0 : i32
      %dma_wait3A_104 = tpu.memref_slice %arg8[%dma_wait3A_102, %dma_wait3A_103] : memref<256x128xf32, #tpu.memory_space<vmem>> -> memref<128x128xf32, #tpu.memory_space<vmem>>
      tpu.wait_dma2 semaphore(%run_scoped3A_82 : memref<!tpu.dma_semaphore, #tpu.memory_space<semaphore_mem>>) src(%dma_wait3A_104 : memref<128x128xf32, #tpu.memory_space<vmem>>) dst(%dma_wait3A_101 : memref<128x128xf32, #tpu.memory_space<hbm>>)
      tpu.yield
    }) : () -> ()
    %run_scoped3A_62 = arith.constant 1 : i32
    "tpu.region"() ({
      %run_scoped3A_82 = tpu.sem_alloc : memref<!tpu.dma_semaphore, #tpu.memory_space<semaphore_mem>>
      %dma_start3A = arith.constant 0 : i32
      %dma_start3A_83 = arith.constant 0 : i32
      %dma_start3A_84 = tpu.memref_slice %arg8[%dma_start3A, %dma_start3A_83] : memref<256x128xf32, #tpu.memory_space<vmem>> -> memref<128x128xf32, #tpu.memory_space<vmem>>
      %dma_start3A_85 = arith.constant 0 : i32
      %dma_start3A_86 = tpu.memref_slice %arg9[%run_scoped3A_62, %dma_start3A_85] : memref<5x128xi32, #tpu.memory_space<vmem>> -> memref<1x128xi32, #tpu.memory_space<vmem>>
      %dma_start3A_87 = tpu.memref_squeeze %dma_start3A_86 : memref<1x128xi32, #tpu.memory_space<vmem>> -> memref<128xi32, #tpu.memory_space<vmem>>
      %dma_start3A_88 = arith.constant 0 : i32
      %dma_start3A_89 = arith.constant 0 : i32
      %dma_start3A_90 = tpu.memref_slice %arg10[%dma_start3A_88, %dma_start3A_89] : memref<10240x128xf32, #tpu.memory_space<vmem_shared>> -> memref<10240x128xf32, #tpu.memory_space<vmem_shared>>
      tpu.enqueue_indirect_dma source(%dma_start3A_90 : memref<10240x128xf32, #tpu.memory_space<vmem_shared>>) target(%dma_start3A_84 : memref<128x128xf32, #tpu.memory_space<vmem>>) offsets(%dma_start3A_87 : memref<128xi32, #tpu.memory_space<vmem>>) semaphore(%run_scoped3A_82 : memref<!tpu.dma_semaphore, #tpu.memory_space<semaphore_mem>>)
      %dma_wait3A = arith.constant 0 : i32
      %dma_wait3A_91 = arith.constant 0 : i32
      %dma_wait3A_92 = tpu.memref_slice %arg8[%dma_wait3A, %dma_wait3A_91] : memref<256x128xf32, #tpu.memory_space<vmem>> -> memref<128x128xf32, #tpu.memory_space<vmem>>
      %dma_wait3A_93 = arith.constant 0 : i32
      %dma_wait3A_94 = tpu.memref_slice %arg9[%run_scoped3A_62, %dma_wait3A_93] : memref<5x128xi32, #tpu.memory_space<vmem>> -> memref<1x128xi32, #tpu.memory_space<vmem>>
      %dma_wait3A_95 = tpu.memref_squeeze %dma_wait3A_94 : memref<1x128xi32, #tpu.memory_space<vmem>> -> memref<128xi32, #tpu.memory_space<vmem>>
      %dma_wait3A_96 = arith.constant 0 : i32
      %dma_wait3A_97 = arith.constant 0 : i32
      %dma_wait3A_98 = tpu.memref_slice %arg10[%dma_wait3A_96, %dma_wait3A_97] : memref<10240x128xf32, #tpu.memory_space<vmem_shared>> -> memref<10240x128xf32, #tpu.memory_space<vmem_shared>>
      tpu.wait_indirect_dma semaphore(%run_scoped3A_82 : memref<!tpu.dma_semaphore, #tpu.memory_space<semaphore_mem>>) src(%dma_wait3A_98 : memref<10240x128xf32, #tpu.memory_space<vmem_shared>>) dst(%dma_wait3A_92 : memref<128x128xf32, #tpu.memory_space<vmem>>)
      tpu.yield
    }) : () -> ()
    %mul3A_63 = arith.constant 640 : i32
    %mul3A_64 = arith.muli %arg1, %mul3A_63 : i32
    %add3A_65 = arith.constant 128 : i32
    %add3A_66 = arith.addi %mul3A_64, %add3A_65 : i32
    "tpu.region"() ({
      %run_scoped3A_82 = tpu.sem_alloc : memref<!tpu.dma_semaphore, #tpu.memory_space<semaphore_mem>>
      %dma_start3A = arith.constant 0 : i32
      %dma_start3A_83 = arith.constant 0 : i32
      %dma_start3A_84 = tpu.memref_slice %arg8[%dma_start3A, %dma_start3A_83] : memref<256x128xf32, #tpu.memory_space<vmem>> -> memref<128x128xf32, #tpu.memory_space<vmem>>
      %dma_start3A_85 = arith.constant 0 : i32
      %dma_start3A_86 = tpu.memref_slice %arg5[%arg0, %add3A_66, %dma_start3A_85] : memref<2x10240x128xf32, #tpu.memory_space<hbm>> -> memref<1x128x128xf32, #tpu.memory_space<hbm>>
      %dma_start3A_87 = tpu.memref_squeeze %dma_start3A_86 : memref<1x128x128xf32, #tpu.memory_space<hbm>> -> memref<128x128xf32, #tpu.memory_space<hbm>>
      %dma_start3A_88 = arith.constant 0 : i32
      %dma_start3A_89 = tpu.memref_slice %arg5[%arg0, %add3A_66, %dma_start3A_88] : memref<2x10240x128xf32, #tpu.memory_space<hbm>> -> memref<1x128x128xf32, #tpu.memory_space<hbm>>
      %dma_start3A_90 = tpu.memref_squeeze %dma_start3A_89 : memref<1x128x128xf32, #tpu.memory_space<hbm>> -> memref<128x128xf32, #tpu.memory_space<hbm>>
      %dma_start3A_91 = arith.constant 0 : i32
      %dma_start3A_92 = arith.constant 0 : i32
      %dma_start3A_93 = tpu.memref_slice %arg8[%dma_start3A_91, %dma_start3A_92] : memref<256x128xf32, #tpu.memory_space<vmem>> -> memref<128x128xf32, #tpu.memory_space<vmem>>
      tpu.enqueue_dma source(%dma_start3A_93 : memref<128x128xf32, #tpu.memory_space<vmem>>) target(%dma_start3A_90 : memref<128x128xf32, #tpu.memory_space<hbm>>) target_semaphore(%run_scoped3A_82 : memref<!tpu.dma_semaphore, #tpu.memory_space<semaphore_mem>>)
      %dma_wait3A = arith.constant 0 : i32
      %dma_wait3A_94 = arith.constant 0 : i32
      %dma_wait3A_95 = tpu.memref_slice %arg8[%dma_wait3A, %dma_wait3A_94] : memref<256x128xf32, #tpu.memory_space<vmem>> -> memref<128x128xf32, #tpu.memory_space<vmem>>
      %dma_wait3A_96 = arith.constant 0 : i32
      %dma_wait3A_97 = tpu.memref_slice %arg5[%arg0, %add3A_66, %dma_wait3A_96] : memref<2x10240x128xf32, #tpu.memory_space<hbm>> -> memref<1x128x128xf32, #tpu.memory_space<hbm>>
      %dma_wait3A_98 = tpu.memref_squeeze %dma_wait3A_97 : memref<1x128x128xf32, #tpu.memory_space<hbm>> -> memref<128x128xf32, #tpu.memory_space<hbm>>
      %dma_wait3A_99 = arith.constant 0 : i32
      %dma_wait3A_100 = tpu.memref_slice %arg5[%arg0, %add3A_66, %dma_wait3A_99] : memref<2x10240x128xf32, #tpu.memory_space<hbm>> -> memref<1x128x128xf32, #tpu.memory_space<hbm>>
      %dma_wait3A_101 = tpu.memref_squeeze %dma_wait3A_100 : memref<1x128x128xf32, #tpu.memory_space<hbm>> -> memref<128x128xf32, #tpu.memory_space<hbm>>
      %dma_wait3A_102 = arith.constant 0 : i32
      %dma_wait3A_103 = arith.constant 0 : i32
      %dma_wait3A_104 = tpu.memref_slice %arg8[%dma_wait3A_102, %dma_wait3A_103] : memref<256x128xf32, #tpu.memory_space<vmem>> -> memref<128x128xf32, #tpu.memory_space<vmem>>
      tpu.wait_dma2 semaphore(%run_scoped3A_82 : memref<!tpu.dma_semaphore, #tpu.memory_space<semaphore_mem>>) src(%dma_wait3A_104 : memref<128x128xf32, #tpu.memory_space<vmem>>) dst(%dma_wait3A_101 : memref<128x128xf32, #tpu.memory_space<hbm>>)
      tpu.yield
    }) : () -> ()
    %run_scoped3A_67 = arith.constant 2 : i32
    "tpu.region"() ({
      %run_scoped3A_82 = tpu.sem_alloc : memref<!tpu.dma_semaphore, #tpu.memory_space<semaphore_mem>>
      %dma_start3A = arith.constant 0 : i32
      %dma_start3A_83 = arith.constant 0 : i32
      %dma_start3A_84 = tpu.memref_slice %arg8[%dma_start3A, %dma_start3A_83] : memref<256x128xf32, #tpu.memory_space<vmem>> -> memref<128x128xf32, #tpu.memory_space<vmem>>
      %dma_start3A_85 = arith.constant 0 : i32
      %dma_start3A_86 = tpu.memref_slice %arg9[%run_scoped3A_67, %dma_start3A_85] : memref<5x128xi32, #tpu.memory_space<vmem>> -> memref<1x128xi32, #tpu.memory_space<vmem>>
      %dma_start3A_87 = tpu.memref_squeeze %dma_start3A_86 : memref<1x128xi32, #tpu.memory_space<vmem>> -> memref<128xi32, #tpu.memory_space<vmem>>
      %dma_start3A_88 = arith.constant 0 : i32
      %dma_start3A_89 = arith.constant 0 : i32
      %dma_start3A_90 = tpu.memref_slice %arg10[%dma_start3A_88, %dma_start3A_89] : memref<10240x128xf32, #tpu.memory_space<vmem_shared>> -> memref<10240x128xf32, #tpu.memory_space<vmem_shared>>
      tpu.enqueue_indirect_dma source(%dma_start3A_90 : memref<10240x128xf32, #tpu.memory_space<vmem_shared>>) target(%dma_start3A_84 : memref<128x128xf32, #tpu.memory_space<vmem>>) offsets(%dma_start3A_87 : memref<128xi32, #tpu.memory_space<vmem>>) semaphore(%run_scoped3A_82 : memref<!tpu.dma_semaphore, #tpu.memory_space<semaphore_mem>>)
      %dma_wait3A = arith.constant 0 : i32
      %dma_wait3A_91 = arith.constant 0 : i32
      %dma_wait3A_92 = tpu.memref_slice %arg8[%dma_wait3A, %dma_wait3A_91] : memref<256x128xf32, #tpu.memory_space<vmem>> -> memref<128x128xf32, #tpu.memory_space<vmem>>
      %dma_wait3A_93 = arith.constant 0 : i32
      %dma_wait3A_94 = tpu.memref_slice %arg9[%run_scoped3A_67, %dma_wait3A_93] : memref<5x128xi32, #tpu.memory_space<vmem>> -> memref<1x128xi32, #tpu.memory_space<vmem>>
      %dma_wait3A_95 = tpu.memref_squeeze %dma_wait3A_94 : memref<1x128xi32, #tpu.memory_space<vmem>> -> memref<128xi32, #tpu.memory_space<vmem>>
      %dma_wait3A_96 = arith.constant 0 : i32
      %dma_wait3A_97 = arith.constant 0 : i32
      %dma_wait3A_98 = tpu.memref_slice %arg10[%dma_wait3A_96, %dma_wait3A_97] : memref<10240x128xf32, #tpu.memory_space<vmem_shared>> -> memref<10240x128xf32, #tpu.memory_space<vmem_shared>>
      tpu.wait_indirect_dma semaphore(%run_scoped3A_82 : memref<!tpu.dma_semaphore, #tpu.memory_space<semaphore_mem>>) src(%dma_wait3A_98 : memref<10240x128xf32, #tpu.memory_space<vmem_shared>>) dst(%dma_wait3A_92 : memref<128x128xf32, #tpu.memory_space<vmem>>)
      tpu.yield
    }) : () -> ()
    %mul3A_68 = arith.constant 640 : i32
    %mul3A_69 = arith.muli %arg1, %mul3A_68 : i32
    %add3A_70 = arith.constant 256 : i32
    %add3A_71 = arith.addi %mul3A_69, %add3A_70 : i32
    "tpu.region"() ({
      %run_scoped3A_82 = tpu.sem_alloc : memref<!tpu.dma_semaphore, #tpu.memory_space<semaphore_mem>>
      %dma_start3A = arith.constant 0 : i32
      %dma_start3A_83 = arith.constant 0 : i32
      %dma_start3A_84 = tpu.memref_slice %arg8[%dma_start3A, %dma_start3A_83] : memref<256x128xf32, #tpu.memory_space<vmem>> -> memref<128x128xf32, #tpu.memory_space<vmem>>
      %dma_start3A_85 = arith.constant 0 : i32
      %dma_start3A_86 = tpu.memref_slice %arg5[%arg0, %add3A_71, %dma_start3A_85] : memref<2x10240x128xf32, #tpu.memory_space<hbm>> -> memref<1x128x128xf32, #tpu.memory_space<hbm>>
      %dma_start3A_87 = tpu.memref_squeeze %dma_start3A_86 : memref<1x128x128xf32, #tpu.memory_space<hbm>> -> memref<128x128xf32, #tpu.memory_space<hbm>>
      %dma_start3A_88 = arith.constant 0 : i32
      %dma_start3A_89 = tpu.memref_slice %arg5[%arg0, %add3A_71, %dma_start3A_88] : memref<2x10240x128xf32, #tpu.memory_space<hbm>> -> memref<1x128x128xf32, #tpu.memory_space<hbm>>
      %dma_start3A_90 = tpu.memref_squeeze %dma_start3A_89 : memref<1x128x128xf32, #tpu.memory_space<hbm>> -> memref<128x128xf32, #tpu.memory_space<hbm>>
      %dma_start3A_91 = arith.constant 0 : i32
      %dma_start3A_92 = arith.constant 0 : i32
      %dma_start3A_93 = tpu.memref_slice %arg8[%dma_start3A_91, %dma_start3A_92] : memref<256x128xf32, #tpu.memory_space<vmem>> -> memref<128x128xf32, #tpu.memory_space<vmem>>
      tpu.enqueue_dma source(%dma_start3A_93 : memref<128x128xf32, #tpu.memory_space<vmem>>) target(%dma_start3A_90 : memref<128x128xf32, #tpu.memory_space<hbm>>) target_semaphore(%run_scoped3A_82 : memref<!tpu.dma_semaphore, #tpu.memory_space<semaphore_mem>>)
      %dma_wait3A = arith.constant 0 : i32
      %dma_wait3A_94 = arith.constant 0 : i32
      %dma_wait3A_95 = tpu.memref_slice %arg8[%dma_wait3A, %dma_wait3A_94] : memref<256x128xf32, #tpu.memory_space<vmem>> -> memref<128x128xf32, #tpu.memory_space<vmem>>
      %dma_wait3A_96 = arith.constant 0 : i32
      %dma_wait3A_97 = tpu.memref_slice %arg5[%arg0, %add3A_71, %dma_wait3A_96] : memref<2x10240x128xf32, #tpu.memory_space<hbm>> -> memref<1x128x128xf32, #tpu.memory_space<hbm>>
      %dma_wait3A_98 = tpu.memref_squeeze %dma_wait3A_97 : memref<1x128x128xf32, #tpu.memory_space<hbm>> -> memref<128x128xf32, #tpu.memory_space<hbm>>
      %dma_wait3A_99 = arith.constant 0 : i32
      %dma_wait3A_100 = tpu.memref_slice %arg5[%arg0, %add3A_71, %dma_wait3A_99] : memref<2x10240x128xf32, #tpu.memory_space<hbm>> -> memref<1x128x128xf32, #tpu.memory_space<hbm>>
      %dma_wait3A_101 = tpu.memref_squeeze %dma_wait3A_100 : memref<1x128x128xf32, #tpu.memory_space<hbm>> -> memref<128x128xf32, #tpu.memory_space<hbm>>
      %dma_wait3A_102 = arith.constant 0 : i32
      %dma_wait3A_103 = arith.constant 0 : i32
      %dma_wait3A_104 = tpu.memref_slice %arg8[%dma_wait3A_102, %dma_wait3A_103] : memref<256x128xf32, #tpu.memory_space<vmem>> -> memref<128x128xf32, #tpu.memory_space<vmem>>
      tpu.wait_dma2 semaphore(%run_scoped3A_82 : memref<!tpu.dma_semaphore, #tpu.memory_space<semaphore_mem>>) src(%dma_wait3A_104 : memref<128x128xf32, #tpu.memory_space<vmem>>) dst(%dma_wait3A_101 : memref<128x128xf32, #tpu.memory_space<hbm>>)
      tpu.yield
    }) : () -> ()
    %run_scoped3A_72 = arith.constant 3 : i32
    "tpu.region"() ({
      %run_scoped3A_82 = tpu.sem_alloc : memref<!tpu.dma_semaphore, #tpu.memory_space<semaphore_mem>>
      %dma_start3A = arith.constant 0 : i32
      %dma_start3A_83 = arith.constant 0 : i32
      %dma_start3A_84 = tpu.memref_slice %arg8[%dma_start3A, %dma_start3A_83] : memref<256x128xf32, #tpu.memory_space<vmem>> -> memref<128x128xf32, #tpu.memory_space<vmem>>
      %dma_start3A_85 = arith.constant 0 : i32
      %dma_start3A_86 = tpu.memref_slice %arg9[%run_scoped3A_72, %dma_start3A_85] : memref<5x128xi32, #tpu.memory_space<vmem>> -> memref<1x128xi32, #tpu.memory_space<vmem>>
      %dma_start3A_87 = tpu.memref_squeeze %dma_start3A_86 : memref<1x128xi32, #tpu.memory_space<vmem>> -> memref<128xi32, #tpu.memory_space<vmem>>
      %dma_start3A_88 = arith.constant 0 : i32
      %dma_start3A_89 = arith.constant 0 : i32
      %dma_start3A_90 = tpu.memref_slice %arg10[%dma_start3A_88, %dma_start3A_89] : memref<10240x128xf32, #tpu.memory_space<vmem_shared>> -> memref<10240x128xf32, #tpu.memory_space<vmem_shared>>
      tpu.enqueue_indirect_dma source(%dma_start3A_90 : memref<10240x128xf32, #tpu.memory_space<vmem_shared>>) target(%dma_start3A_84 : memref<128x128xf32, #tpu.memory_space<vmem>>) offsets(%dma_start3A_87 : memref<128xi32, #tpu.memory_space<vmem>>) semaphore(%run_scoped3A_82 : memref<!tpu.dma_semaphore, #tpu.memory_space<semaphore_mem>>)
      %dma_wait3A = arith.constant 0 : i32
      %dma_wait3A_91 = arith.constant 0 : i32
      %dma_wait3A_92 = tpu.memref_slice %arg8[%dma_wait3A, %dma_wait3A_91] : memref<256x128xf32, #tpu.memory_space<vmem>> -> memref<128x128xf32, #tpu.memory_space<vmem>>
      %dma_wait3A_93 = arith.constant 0 : i32
      %dma_wait3A_94 = tpu.memref_slice %arg9[%run_scoped3A_72, %dma_wait3A_93] : memref<5x128xi32, #tpu.memory_space<vmem>> -> memref<1x128xi32, #tpu.memory_space<vmem>>
      %dma_wait3A_95 = tpu.memref_squeeze %dma_wait3A_94 : memref<1x128xi32, #tpu.memory_space<vmem>> -> memref<128xi32, #tpu.memory_space<vmem>>
      %dma_wait3A_96 = arith.constant 0 : i32
      %dma_wait3A_97 = arith.constant 0 : i32
      %dma_wait3A_98 = tpu.memref_slice %arg10[%dma_wait3A_96, %dma_wait3A_97] : memref<10240x128xf32, #tpu.memory_space<vmem_shared>> -> memref<10240x128xf32, #tpu.memory_space<vmem_shared>>
      tpu.wait_indirect_dma semaphore(%run_scoped3A_82 : memref<!tpu.dma_semaphore, #tpu.memory_space<semaphore_mem>>) src(%dma_wait3A_98 : memref<10240x128xf32, #tpu.memory_space<vmem_shared>>) dst(%dma_wait3A_92 : memref<128x128xf32, #tpu.memory_space<vmem>>)
      tpu.yield
    }) : () -> ()
    %mul3A_73 = arith.constant 640 : i32
    %mul3A_74 = arith.muli %arg1, %mul3A_73 : i32
    %add3A_75 = arith.constant 384 : i32
    %add3A_76 = arith.addi %mul3A_74, %add3A_75 : i32
    "tpu.region"() ({
      %run_scoped3A_82 = tpu.sem_alloc : memref<!tpu.dma_semaphore, #tpu.memory_space<semaphore_mem>>
      %dma_start3A = arith.constant 0 : i32
      %dma_start3A_83 = arith.constant 0 : i32
      %dma_start3A_84 = tpu.memref_slice %arg8[%dma_start3A, %dma_start3A_83] : memref<256x128xf32, #tpu.memory_space<vmem>> -> memref<128x128xf32, #tpu.memory_space<vmem>>
      %dma_start3A_85 = arith.constant 0 : i32
      %dma_start3A_86 = tpu.memref_slice %arg5[%arg0, %add3A_76, %dma_start3A_85] : memref<2x10240x128xf32, #tpu.memory_space<hbm>> -> memref<1x128x128xf32, #tpu.memory_space<hbm>>
      %dma_start3A_87 = tpu.memref_squeeze %dma_start3A_86 : memref<1x128x128xf32, #tpu.memory_space<hbm>> -> memref<128x128xf32, #tpu.memory_space<hbm>>
      %dma_start3A_88 = arith.constant 0 : i32
      %dma_start3A_89 = tpu.memref_slice %arg5[%arg0, %add3A_76, %dma_start3A_88] : memref<2x10240x128xf32, #tpu.memory_space<hbm>> -> memref<1x128x128xf32, #tpu.memory_space<hbm>>
      %dma_start3A_90 = tpu.memref_squeeze %dma_start3A_89 : memref<1x128x128xf32, #tpu.memory_space<hbm>> -> memref<128x128xf32, #tpu.memory_space<hbm>>
      %dma_start3A_91 = arith.constant 0 : i32
      %dma_start3A_92 = arith.constant 0 : i32
      %dma_start3A_93 = tpu.memref_slice %arg8[%dma_start3A_91, %dma_start3A_92] : memref<256x128xf32, #tpu.memory_space<vmem>> -> memref<128x128xf32, #tpu.memory_space<vmem>>
      tpu.enqueue_dma source(%dma_start3A_93 : memref<128x128xf32, #tpu.memory_space<vmem>>) target(%dma_start3A_90 : memref<128x128xf32, #tpu.memory_space<hbm>>) target_semaphore(%run_scoped3A_82 : memref<!tpu.dma_semaphore, #tpu.memory_space<semaphore_mem>>)
      %dma_wait3A = arith.constant 0 : i32
      %dma_wait3A_94 = arith.constant 0 : i32
      %dma_wait3A_95 = tpu.memref_slice %arg8[%dma_wait3A, %dma_wait3A_94] : memref<256x128xf32, #tpu.memory_space<vmem>> -> memref<128x128xf32, #tpu.memory_space<vmem>>
      %dma_wait3A_96 = arith.constant 0 : i32
      %dma_wait3A_97 = tpu.memref_slice %arg5[%arg0, %add3A_76, %dma_wait3A_96] : memref<2x10240x128xf32, #tpu.memory_space<hbm>> -> memref<1x128x128xf32, #tpu.memory_space<hbm>>
      %dma_wait3A_98 = tpu.memref_squeeze %dma_wait3A_97 : memref<1x128x128xf32, #tpu.memory_space<hbm>> -> memref<128x128xf32, #tpu.memory_space<hbm>>
      %dma_wait3A_99 = arith.constant 0 : i32
      %dma_wait3A_100 = tpu.memref_slice %arg5[%arg0, %add3A_76, %dma_wait3A_99] : memref<2x10240x128xf32, #tpu.memory_space<hbm>> -> memref<1x128x128xf32, #tpu.memory_space<hbm>>
      %dma_wait3A_101 = tpu.memref_squeeze %dma_wait3A_100 : memref<1x128x128xf32, #tpu.memory_space<hbm>> -> memref<128x128xf32, #tpu.memory_space<hbm>>
      %dma_wait3A_102 = arith.constant 0 : i32
      %dma_wait3A_103 = arith.constant 0 : i32
      %dma_wait3A_104 = tpu.memref_slice %arg8[%dma_wait3A_102, %dma_wait3A_103] : memref<256x128xf32, #tpu.memory_space<vmem>> -> memref<128x128xf32, #tpu.memory_space<vmem>>
      tpu.wait_dma2 semaphore(%run_scoped3A_82 : memref<!tpu.dma_semaphore, #tpu.memory_space<semaphore_mem>>) src(%dma_wait3A_104 : memref<128x128xf32, #tpu.memory_space<vmem>>) dst(%dma_wait3A_101 : memref<128x128xf32, #tpu.memory_space<hbm>>)
      tpu.yield
    }) : () -> ()
    %run_scoped3A_77 = arith.constant 4 : i32
    "tpu.region"() ({
      %run_scoped3A_82 = tpu.sem_alloc : memref<!tpu.dma_semaphore, #tpu.memory_space<semaphore_mem>>
      %dma_start3A = arith.constant 0 : i32
      %dma_start3A_83 = arith.constant 0 : i32
      %dma_start3A_84 = tpu.memref_slice %arg8[%dma_start3A, %dma_start3A_83] : memref<256x128xf32, #tpu.memory_space<vmem>> -> memref<128x128xf32, #tpu.memory_space<vmem>>
      %dma_start3A_85 = arith.constant 0 : i32
      %dma_start3A_86 = tpu.memref_slice %arg9[%run_scoped3A_77, %dma_start3A_85] : memref<5x128xi32, #tpu.memory_space<vmem>> -> memref<1x128xi32, #tpu.memory_space<vmem>>
      %dma_start3A_87 = tpu.memref_squeeze %dma_start3A_86 : memref<1x128xi32, #tpu.memory_space<vmem>> -> memref<128xi32, #tpu.memory_space<vmem>>
      %dma_start3A_88 = arith.constant 0 : i32
      %dma_start3A_89 = arith.constant 0 : i32
      %dma_start3A_90 = tpu.memref_slice %arg10[%dma_start3A_88, %dma_start3A_89] : memref<10240x128xf32, #tpu.memory_space<vmem_shared>> -> memref<10240x128xf32, #tpu.memory_space<vmem_shared>>
      tpu.enqueue_indirect_dma source(%dma_start3A_90 : memref<10240x128xf32, #tpu.memory_space<vmem_shared>>) target(%dma_start3A_84 : memref<128x128xf32, #tpu.memory_space<vmem>>) offsets(%dma_start3A_87 : memref<128xi32, #tpu.memory_space<vmem>>) semaphore(%run_scoped3A_82 : memref<!tpu.dma_semaphore, #tpu.memory_space<semaphore_mem>>)
      %dma_wait3A = arith.constant 0 : i32
      %dma_wait3A_91 = arith.constant 0 : i32
      %dma_wait3A_92 = tpu.memref_slice %arg8[%dma_wait3A, %dma_wait3A_91] : memref<256x128xf32, #tpu.memory_space<vmem>> -> memref<128x128xf32, #tpu.memory_space<vmem>>
      %dma_wait3A_93 = arith.constant 0 : i32
      %dma_wait3A_94 = tpu.memref_slice %arg9[%run_scoped3A_77, %dma_wait3A_93] : memref<5x128xi32, #tpu.memory_space<vmem>> -> memref<1x128xi32, #tpu.memory_space<vmem>>
      %dma_wait3A_95 = tpu.memref_squeeze %dma_wait3A_94 : memref<1x128xi32, #tpu.memory_space<vmem>> -> memref<128xi32, #tpu.memory_space<vmem>>
      %dma_wait3A_96 = arith.constant 0 : i32
      %dma_wait3A_97 = arith.constant 0 : i32
      %dma_wait3A_98 = tpu.memref_slice %arg10[%dma_wait3A_96, %dma_wait3A_97] : memref<10240x128xf32, #tpu.memory_space<vmem_shared>> -> memref<10240x128xf32, #tpu.memory_space<vmem_shared>>
      tpu.wait_indirect_dma semaphore(%run_scoped3A_82 : memref<!tpu.dma_semaphore, #tpu.memory_space<semaphore_mem>>) src(%dma_wait3A_98 : memref<10240x128xf32, #tpu.memory_space<vmem_shared>>) dst(%dma_wait3A_92 : memref<128x128xf32, #tpu.memory_space<vmem>>)
      tpu.yield
    }) : () -> ()
    %mul3A_78 = arith.constant 640 : i32
    %mul3A_79 = arith.muli %arg1, %mul3A_78 : i32
    %add3A_80 = arith.constant 512 : i32
    %add3A_81 = arith.addi %mul3A_79, %add3A_80 : i32
    "tpu.region"() ({
      %run_scoped3A_82 = tpu.sem_alloc : memref<!tpu.dma_semaphore, #tpu.memory_space<semaphore_mem>>
      %dma_start3A = arith.constant 0 : i32
      %dma_start3A_83 = arith.constant 0 : i32
      %dma_start3A_84 = tpu.memref_slice %arg8[%dma_start3A, %dma_start3A_83] : memref<256x128xf32, #tpu.memory_space<vmem>> -> memref<128x128xf32, #tpu.memory_space<vmem>>
      %dma_start3A_85 = arith.constant 0 : i32
      %dma_start3A_86 = tpu.memref_slice %arg5[%arg0, %add3A_81, %dma_start3A_85] : memref<2x10240x128xf32, #tpu.memory_space<hbm>> -> memref<1x128x128xf32, #tpu.memory_space<hbm>>
      %dma_start3A_87 = tpu.memref_squeeze %dma_start3A_86 : memref<1x128x128xf32, #tpu.memory_space<hbm>> -> memref<128x128xf32, #tpu.memory_space<hbm>>
      %dma_start3A_88 = arith.constant 0 : i32
      %dma_start3A_89 = tpu.memref_slice %arg5[%arg0, %add3A_81, %dma_start3A_88] : memref<2x10240x128xf32, #tpu.memory_space<hbm>> -> memref<1x128x128xf32, #tpu.memory_space<hbm>>
      %dma_start3A_90 = tpu.memref_squeeze %dma_start3A_89 : memref<1x128x128xf32, #tpu.memory_space<hbm>> -> memref<128x128xf32, #tpu.memory_space<hbm>>
      %dma_start3A_91 = arith.constant 0 : i32
      %dma_start3A_92 = arith.constant 0 : i32
      %dma_start3A_93 = tpu.memref_slice %arg8[%dma_start3A_91, %dma_start3A_92] : memref<256x128xf32, #tpu.memory_space<vmem>> -> memref<128x128xf32, #tpu.memory_space<vmem>>
      tpu.enqueue_dma source(%dma_start3A_93 : memref<128x128xf32, #tpu.memory_space<vmem>>) target(%dma_start3A_90 : memref<128x128xf32, #tpu.memory_space<hbm>>) target_semaphore(%run_scoped3A_82 : memref<!tpu.dma_semaphore, #tpu.memory_space<semaphore_mem>>)
      %dma_wait3A = arith.constant 0 : i32
      %dma_wait3A_94 = arith.constant 0 : i32
      %dma_wait3A_95 = tpu.memref_slice %arg8[%dma_wait3A, %dma_wait3A_94] : memref<256x128xf32, #tpu.memory_space<vmem>> -> memref<128x128xf32, #tpu.memory_space<vmem>>
      %dma_wait3A_96 = arith.constant 0 : i32
      %dma_wait3A_97 = tpu.memref_slice %arg5[%arg0, %add3A_81, %dma_wait3A_96] : memref<2x10240x128xf32, #tpu.memory_space<hbm>> -> memref<1x128x128xf32, #tpu.memory_space<hbm>>
      %dma_wait3A_98 = tpu.memref_squeeze %dma_wait3A_97 : memref<1x128x128xf32, #tpu.memory_space<hbm>> -> memref<128x128xf32, #tpu.memory_space<hbm>>
      %dma_wait3A_99 = arith.constant 0 : i32
      %dma_wait3A_100 = tpu.memref_slice %arg5[%arg0, %add3A_81, %dma_wait3A_99] : memref<2x10240x128xf32, #tpu.memory_space<hbm>> -> memref<1x128x128xf32, #tpu.memory_space<hbm>>
      %dma_wait3A_101 = tpu.memref_squeeze %dma_wait3A_100 : memref<1x128x128xf32, #tpu.memory_space<hbm>> -> memref<128x128xf32, #tpu.memory_space<hbm>>
      %dma_wait3A_102 = arith.constant 0 : i32
      %dma_wait3A_103 = arith.constant 0 : i32
      %dma_wait3A_104 = tpu.memref_slice %arg8[%dma_wait3A_102, %dma_wait3A_103] : memref<256x128xf32, #tpu.memory_space<vmem>> -> memref<128x128xf32, #tpu.memory_space<vmem>>
      tpu.wait_dma2 semaphore(%run_scoped3A_82 : memref<!tpu.dma_semaphore, #tpu.memory_space<semaphore_mem>>) src(%dma_wait3A_104 : memref<128x128xf32, #tpu.memory_space<vmem>>) dst(%dma_wait3A_101 : memref<128x128xf32, #tpu.memory_space<hbm>>)
      tpu.yield
    }) : () -> ()
    return
  }
}

module attributes {stable_mosaic.version = 14 : i64} {
  func.func @body(%arg0: i32, %arg1: memref<640x128xf32, #tpu.memory_space<vmem>>, %arg2: memref<128x128xf32, #tpu.memory_space<vmem>>, %arg3: memref<128xf32, #tpu.memory_space<vmem>>, %arg4: memref<128x128xf32, #tpu.memory_space<vmem>>, %arg5: memref<128xf32, #tpu.memory_space<vmem>>, %arg6: memref<640x32xf32, #tpu.memory_space<vmem>>, %arg7: memref<640x128xf32, #tpu.memory_space<vmem>>, %arg8: memref<640x128xf32, #tpu.memory_space<vmem>>) attributes {dimension_semantics = [#tpu.dimension_semantics<arbitrary>], iteration_bounds = array<i64: 16>, scalar_prefetch = 0 : i64, scratch_operands = 0 : i64, tpu.core_type = #tpu.core_type<tc>, window_params = [{transform_indices = @transform_0, window_bounds = array<i64: 640, 128>}, {pipeline_mode = #tpu.pipeline_mode<synchronous>, transform_indices = @transform_1, window_bounds = array<i64: 128, 128>}, {pipeline_mode = #tpu.pipeline_mode<synchronous>, transform_indices = @transform_2, window_bounds = array<i64: 128>}, {pipeline_mode = #tpu.pipeline_mode<synchronous>, transform_indices = @transform_3, window_bounds = array<i64: 128, 128>}, {pipeline_mode = #tpu.pipeline_mode<synchronous>, transform_indices = @transform_4, window_bounds = array<i64: 128>}, {transform_indices = @transform_5, window_bounds = array<i64: 640, 32>}, {transform_indices = @transform_6, window_bounds = array<i64: 640, 128>}, {transform_indices = @transform_7, window_bounds = array<i64: 640, 128>}]} {
    %get3A = arith.constant 0 : index
    %get3A_0 = arith.constant 0 : index
    %get3A_1 = vector.load %arg6[%get3A, %get3A_0] : memref<640x32xf32, #tpu.memory_space<vmem>>, vector<640x32xf32>
    %reduce_sum3A = arith.constant dense<0.000000e+00> : vector<640xf32>
    %reduce_sum3A_2 = vector.multi_reduction <add>, %get3A_1, %reduce_sum3A [1] : vector<640x32xf32> to vector<640xf32>
    %broadcast_in_dim3A = vector.shape_cast %reduce_sum3A_2 : vector<640xf32> to vector<640x1xf32>
    %add3A = arith.constant 1.000000e+00 : f32
    %add3A_3 = vector.broadcast %add3A : f32 to vector<640x1xf32>
    %add3A_4 = arith.addf %broadcast_in_dim3A, %add3A_3 : vector<640x1xf32>
    %rsqrt3A = math.rsqrt %add3A_4 : vector<640x1xf32>
    %get3A_5 = arith.constant 0 : index
    %get3A_6 = arith.constant 0 : index
    %get3A_7 = vector.load %arg1[%get3A_5, %get3A_6] : memref<640x128xf32, #tpu.memory_space<vmem>>, vector<640x128xf32>
    %get3A_8 = arith.constant 0 : index
    %get3A_9 = arith.constant 0 : index
    %get3A_10 = vector.load %arg2[%get3A_8, %get3A_9] : memref<128x128xf32, #tpu.memory_space<vmem>>, vector<128x128xf32>
    %dot_general3A = arith.constant dense<0.000000e+00> : vector<640x128xf32>
    %dot_general3A_11 = tpu.matmul %get3A_7, %get3A_10, %dot_general3A {dimension_numbers = #tpu.dot_dimension_numbers<[1], [0], [0], [1], [0, 0, 1, 1], [], []>, transpose_lhs_hint = false} : vector<640x128xf32>, vector<128x128xf32>, vector<640x128xf32> -> vector<640x128xf32>
    %get3A_12 = arith.constant 0 : index
    %get3A_13 = vector.load %arg3[%get3A_12] : memref<128xf32, #tpu.memory_space<vmem>>, vector<128xf32>
    %broadcast_in_dim3A_14 = vector.shape_cast %get3A_13 : vector<128xf32> to vector<1x128xf32>
    %add3A_15 = vector.broadcast %broadcast_in_dim3A_14 : vector<1x128xf32> to vector<640x128xf32>
    %add3A_16 = arith.addf %dot_general3A_11, %add3A_15 : vector<640x128xf32>
    %mul3A = vector.broadcast %rsqrt3A : vector<640x1xf32> to vector<640x128xf32>
    %mul3A_17 = arith.mulf %add3A_16, %mul3A : vector<640x128xf32>
    %swap3A = arith.constant 0 : index
    %swap3A_18 = arith.constant 0 : index
    %swap3A_19 = vector.load %arg7[%swap3A, %swap3A_18] : memref<640x128xf32, #tpu.memory_space<vmem>>, vector<640x128xf32>
    tpu.vector_store %arg7[%swap3A, %swap3A_18], %mul3A_17 {strides = array<i32>} : memref<640x128xf32, #tpu.memory_space<vmem>>, vector<640x128xf32>,
    %get3A_20 = arith.constant 0 : index
    %get3A_21 = arith.constant 0 : index
    %get3A_22 = vector.load %arg1[%get3A_20, %get3A_21] : memref<640x128xf32, #tpu.memory_space<vmem>>, vector<640x128xf32>
    %get3A_23 = arith.constant 0 : index
    %get3A_24 = arith.constant 0 : index
    %get3A_25 = vector.load %arg4[%get3A_23, %get3A_24] : memref<128x128xf32, #tpu.memory_space<vmem>>, vector<128x128xf32>
    %dot_general3A_26 = arith.constant dense<0.000000e+00> : vector<640x128xf32>
    %dot_general3A_27 = tpu.matmul %get3A_22, %get3A_25, %dot_general3A_26 {dimension_numbers = #tpu.dot_dimension_numbers<[1], [0], [0], [1], [0, 0, 1, 1], [], []>, transpose_lhs_hint = false} : vector<640x128xf32>, vector<128x128xf32>, vector<640x128xf32> -> vector<640x128xf32>
    %get3A_28 = arith.constant 0 : index
    %get3A_29 = vector.load %arg5[%get3A_28] : memref<128xf32, #tpu.memory_space<vmem>>, vector<128xf32>
    %broadcast_in_dim3A_30 = vector.shape_cast %get3A_29 : vector<128xf32> to vector<1x128xf32>
    %add3A_31 = vector.broadcast %broadcast_in_dim3A_30 : vector<1x128xf32> to vector<640x128xf32>
    %add3A_32 = arith.addf %dot_general3A_27, %add3A_31 : vector<640x128xf32>
    %swap3A_33 = arith.constant 0 : index
    %swap3A_34 = arith.constant 0 : index
    %swap3A_35 = vector.load %arg8[%swap3A_33, %swap3A_34] : memref<640x128xf32, #tpu.memory_space<vmem>>, vector<640x128xf32>
    tpu.vector_store %arg8[%swap3A_33, %swap3A_34], %add3A_32 {strides = array<i32>} : memref<640x128xf32, #tpu.memory_space<vmem>>, vector<640x128xf32>,
    return
  }
  func.func @transform_0(%arg0: i32) -> (i32, i32) {
    %c0_i32 = arith.constant 0 : i32
    %c0_i32_0 = arith.constant 0 : i32
    return %arg0, %c0_i32 : i32, i32
  }
  func.func @transform_1(%arg0: i32) -> (i32, i32) {
    %c0_i32 = arith.constant 0 : i32
    %c0_i32_0 = arith.constant 0 : i32
    %c0_i32_1 = arith.constant 0 : i32
    return %c0_i32, %c0_i32_0 : i32, i32
  }
  func.func @transform_2(%arg0: i32) -> i32 {
    %c0_i32 = arith.constant 0 : i32
    %c0_i32_0 = arith.constant 0 : i32
    return %c0_i32 : i32
  }
  func.func @transform_3(%arg0: i32) -> (i32, i32) {
    %c0_i32 = arith.constant 0 : i32
    %c0_i32_0 = arith.constant 0 : i32
    %c0_i32_1 = arith.constant 0 : i32
    return %c0_i32, %c0_i32_0 : i32, i32
  }
  func.func @transform_4(%arg0: i32) -> i32 {
    %c0_i32 = arith.constant 0 : i32
    %c0_i32_0 = arith.constant 0 : i32
    return %c0_i32 : i32
  }
  func.func @transform_5(%arg0: i32) -> (i32, i32) {
    %c0_i32 = arith.constant 0 : i32
    %c0_i32_0 = arith.constant 0 : i32
    return %arg0, %c0_i32 : i32, i32
  }
  func.func @transform_6(%arg0: i32) -> (i32, i32) {
    %c0_i32 = arith.constant 0 : i32
    %c0_i32_0 = arith.constant 0 : i32
    return %arg0, %c0_i32 : i32, i32
  }
  func.func @transform_7(%arg0: i32) -> (i32, i32) {
    %c0_i32 = arith.constant 0 : i32
    %c0_i32_0 = arith.constant 0 : i32
    return %arg0, %c0_i32 : i32, i32
  }
}

module attributes {stable_mosaic.version = 14 : i64} {
  func.func @body(%arg0: i32, %arg1: memref<2x640x128xf32, #tpu.memory_space<vmem>>, %arg2: memref<640x32xf32, #tpu.memory_space<vmem>>, %arg3: memref<640x128xf32, #tpu.memory_space<vmem>>, %arg4: memref<640x128xf32, #tpu.memory_space<vmem>>) attributes {dimension_semantics = [#tpu.dimension_semantics<arbitrary>], iteration_bounds = array<i64: 16>, scalar_prefetch = 0 : i64, scratch_operands = 0 : i64, tpu.core_type = #tpu.core_type<tc>, window_params = [{transform_indices = @transform_0, window_bounds = array<i64: 2, 640, 128>}, {transform_indices = @transform_1, window_bounds = array<i64: 640, 32>}, {transform_indices = @transform_2, window_bounds = array<i64: 640, 128>}, {transform_indices = @transform_3, window_bounds = array<i64: 640, 128>}]} {
    %get3A = arith.constant 0 : index
    %get3A_0 = arith.constant 0 : index
    %get3A_1 = vector.load %arg2[%get3A, %get3A_0] : memref<640x32xf32, #tpu.memory_space<vmem>>, vector<640x32xf32>
    %reduce_sum3A = arith.constant dense<0.000000e+00> : vector<640xf32>
    %reduce_sum3A_2 = vector.multi_reduction <add>, %get3A_1, %reduce_sum3A [1] : vector<640x32xf32> to vector<640xf32>
    %broadcast_in_dim3A = vector.shape_cast %reduce_sum3A_2 : vector<640xf32> to vector<640x1xf32>
    %add3A = arith.constant 1.000000e+00 : f32
    %add3A_3 = vector.broadcast %add3A : f32 to vector<640x1xf32>
    %add3A_4 = arith.addf %broadcast_in_dim3A, %add3A_3 : vector<640x1xf32>
    %rsqrt3A = math.rsqrt %add3A_4 : vector<640x1xf32>
    %get3A_5 = arith.constant 0 : index
    %get3A_6 = arith.constant 0 : index
    %get3A_7 = arith.constant 0 : index
    %get3A_8 = vector.load %arg1[%get3A_5, %get3A_6, %get3A_7] : memref<2x640x128xf32, #tpu.memory_space<vmem>>, vector<1x640x128xf32>
    %get3A_9 = vector.shape_cast %get3A_8 : vector<1x640x128xf32> to vector<640x128xf32>
    %get3A_10 = arith.constant 1 : index
    %get3A_11 = arith.constant 0 : index
    %get3A_12 = arith.constant 0 : index
    %get3A_13 = vector.load %arg1[%get3A_10, %get3A_11, %get3A_12] : memref<2x640x128xf32, #tpu.memory_space<vmem>>, vector<1x640x128xf32>
    %get3A_14 = vector.shape_cast %get3A_13 : vector<1x640x128xf32> to vector<640x128xf32>
    %add3A_15 = arith.addf %get3A_9, %get3A_14 : vector<640x128xf32>
    %mul3A = vector.broadcast %rsqrt3A : vector<640x1xf32> to vector<640x128xf32>
    %mul3A_16 = arith.mulf %add3A_15, %mul3A : vector<640x128xf32>
    %get3A_17 = arith.constant 0 : index
    %get3A_18 = arith.constant 0 : index
    %get3A_19 = vector.load %arg3[%get3A_17, %get3A_18] : memref<640x128xf32, #tpu.memory_space<vmem>>, vector<640x128xf32>
    %add3A_20 = arith.addf %mul3A_16, %get3A_19 : vector<640x128xf32>
    %max3A = arith.constant 0.000000e+00 : f32
    %max3A_21 = vector.broadcast %max3A : f32 to vector<640x128xf32>
    %max3A_22 = arith.maximumf %add3A_20, %max3A_21 : vector<640x128xf32>
    %swap3A = arith.constant 0 : index
    %swap3A_23 = arith.constant 0 : index
    %swap3A_24 = vector.load %arg4[%swap3A, %swap3A_23] : memref<640x128xf32, #tpu.memory_space<vmem>>, vector<640x128xf32>
    tpu.vector_store %arg4[%swap3A, %swap3A_23], %max3A_22 {strides = array<i32>} : memref<640x128xf32, #tpu.memory_space<vmem>>, vector<640x128xf32>,
    return
  }
  func.func @transform_0(%arg0: i32) -> (i32, i32, i32) {
    %c0_i32 = arith.constant 0 : i32
    %c0_i32_0 = arith.constant 0 : i32
    %c0_i32_1 = arith.constant 0 : i32
    return %c0_i32, %arg0, %c0_i32_0 : i32, i32, i32
  }
  func.func @transform_1(%arg0: i32) -> (i32, i32) {
    %c0_i32 = arith.constant 0 : i32
    %c0_i32_0 = arith.constant 0 : i32
    return %arg0, %c0_i32 : i32, i32
  }
  func.func @transform_2(%arg0: i32) -> (i32, i32) {
    %c0_i32 = arith.constant 0 : i32
    %c0_i32_0 = arith.constant 0 : i32
    return %arg0, %c0_i32 : i32, i32
  }
  func.func @transform_3(%arg0: i32) -> (i32, i32) {
    %c0_i32 = arith.constant 0 : i32
    %c0_i32_0 = arith.constant 0 : i32
    return %arg0, %c0_i32 : i32, i32
  }
}

</mosaic_0001>

<sc_bundles>
// kernel: kernel.6.cloned.1.call-start
scs
__scs_entry_jumppad:
0x0: {  	(pc) =	sbr.rel $0x88, $3  }
0x1: {  	(tag) =	ssettag $0x0;
	lr =	simm.s32 $0x1  }
0x2: {  	[smem:$0x3F9B] =	sst lr;
	_ =	strace $0xD0000000  }
0x3: {  	_ = 	snop  }
0x4: {  	_ = 	snop  }
0x5: {  	_ = 	snop  }
0x6: {  	_ = 	snop  }
0x7: {  	_ = 	snop  }
__scs_overlays_trampoline_lowered:
0x8: {  	[smem:$0x3FAA] =	sst s0  }
0x9: {  	[smem:$0x3FAB] =	sst s1  }
0xa: {  	[smem:$0x3FAC] =	sst s2  }
0xb: {  	[smem:$0x3FAD] =	sst s3  }
0xc: {  	[smem:$0x3FAE] =	sst s4  }
0xd: {  	[smem:$0x3FAF] =	sst s5  }
0xe: {  	[smem:$0x3FB0] =	sst s6  }
0xf: {  	[smem:$0x3FB1] =	sst s7  }
0x10: {  	[smem:$0x3FB2] =	sst s8  }
0x11: {  	[smem:$0x3FB3] =	sst s9;
	s0 =	simm.s32 @!p0 $0x0  }
0x12: {  	s1 =	sld [smem:$0x3F99];
	s0 =	simm.s32 @p0 $0x1  }
0x13: {  	[smem:$0x3FB4] =	sst s0;
	s0 =	simm.s32 @!p1 $0x0  }
0x14: {  	s2 =	sld [smem:$0x3F98];
	s0 =	simm.s32 @p1 $0x1  }
0x15: {  	[smem:$0x3FB5] =	sst s0;
	s0 =	simm.s32 @!p2 $0x0  }
0x16: {  	s3 =	sld [smem:$0x3FDB];
	s0 =	simm.s32 @p2 $0x1  }
0x17: {  	s4 =	simm.s32 $0x1BF5;
	[smem:$0x3FB7] =	sst s0  }
0x18: {  	s0 =	sld [smem:$0x3F9A];
	_ =	swait.ge [sflag:s4], $0x0  }
0x19: {  	s7 =	sld [smem:$0x3F9B]  }
0x1a: {  	s8 =	sadd.s32 $0xFFFFE003, lr  }
0x1b: {  	s9 =	sadd.s32 $0xFFFFFEF7, lr;
	s5 =	simm.s32 $0xFFFFFFFF;
	p2 =	slt.u32 s8, $0xFFFFF086  }
0x1c: {  	p1 =	slt.u32 s9, $0xF7A;
	s5 =	simm.s32 @!p2 $0x0  }
0x1d: {  	s5 =	simm.s32 @p1 $0x1;
	p0 =	seq.s32 s7, s2  }
0x1e: {  	s7 =	smul.u32 @!p0 $0xF7A, s2;
	p2 =	seq.s32 @!p0 s5, $0x0  }
0x1f: {  	s9 =	smul.u32 $0xF7A, s1;
	s8 =	simm.s32 @!p0 $0x1BF5;
	p2 =	por !p2, p0  }
0x20: {  	[sflag:s8] =	ssyncset.s32 @!p0 $0xFFFFF086;
	s6 =	sadd.s32 @!p0 s3, s7;
	s7 =	simm.s32 @!p0 $0x108  }
0x21: {  	s3 =	sadd.s32 s3, s9;
	s6 =	sadd.s32 @!p0 $0x88, s6;
	s7 =	simm.s32 @p2 $0x1082  }
0x22: {  	[simem:s7], [sflag:s8] =	dma.local @!p0 [hbm:s6], $0xF7A  }
0x23: {  	s9 =	sor.u32 $0xD0000000, s2;
	s6 =	simm.s32 $0x108;
	_ =	swait.ge @!p0 [sflag:s8], $0x0  }
0x24: {  	s3 =	sadd.s32 $0x88, s3;
	s6 =	simm.s32 @!p1 $0x1082;
	[sflag:s4] =	ssyncset.s32 $0xFFFFF086  }
0x25: {  	[simem:s6], [sflag:s4] =	dma.local [hbm:s3], $0xF7A  }
0x26: {  	[smem:$0x3F9B] =	sst s1;
	(tag) =	ssettag s2;
	_ =	strace s9  }
0x27: {  	s1 =	sld [smem:$0x3FAB]  }
0x28: {  	s2 =	sld [smem:$0x3FAC]  }
0x29: {  	s4 =	sld [smem:$0x3FAE]  }
0x2a: {  	p0 =	seq.s32 s5, $0x0;
	s5 =	sld [smem:$0x3FAF]  }
0x2b: {  	s6 =	sld [smem:$0x3FB0]  }
0x2c: {  	s7 =	sld [smem:$0x3FB1]  }
0x2d: {  	s3 =	simm.s32 $0x108;
	s8 =	sld [smem:$0x3FB2]  }
0x2e: {  	s3 =	simm.s32 @!p0 $0x1082;
	s9 =	sld [smem:$0x3FB3]  }
0x2f: {  	lr =	sadd.s32 s0, s3;
	s0 =	sld [smem:$0x3FAA]  }
0x30: {  	s3 =	sld [smem:$0x3FAD]  }
0x31: {  	[smem:$0x3FB6] =	sst s10  }
0x32: {  	s10 =	sld [smem:$0x3FB4];
	_ =	sdelay $0x3  }
0x33: {  	p0 =	seq.s32 s10, $0x1;
	s10 =	sld [smem:$0x3FB6];
	_ =	sdelay $0x3  }
0x34: {  	[smem:$0x3FB6] =	sst s10  }
0x35: {  	s10 =	sld [smem:$0x3FB5];
	_ =	sdelay $0x3  }
0x36: {  	p1 =	seq.s32 s10, $0x1;
	s10 =	sld [smem:$0x3FB6];
	_ =	sdelay $0x3  }
0x37: {  	[smem:$0x3FB6] =	sst s10  }
0x38: {  	s10 =	sld [smem:$0x3FB7]  }
0x39: {  	_ = 	snop;
	(pc) =	sbr.ind lr, $3  }
0x3a: {  	_ = 	snop  }
0x3b: {  	_ = 	snop  }
0x3c: {  	p2 =	seq.s32 s10, $0x1;
	s10 =	sld [smem:$0x3FB6]  }
0x3d: {  	_ =	shalt  }
0x3e: {  	_ =	shalt  }
0x3f: {  	_ =	shalt  }
0x40: {  	_ =	shalt  }
0x41: {  	_ =	shalt  }
0x42: {  	_ =	shalt  }
0x43: {  	_ =	shalt  }
0x44: {  	_ =	shalt  }
0x45: {  	_ =	shalt  }
0x46: {  	_ =	shalt  }
0x47: {  	_ =	shalt  }
0x48: {  	_ =	shalt  }
0x49: {  	_ =	shalt  }
0x4a: {  	_ =	shalt  }
0x4b: {  	_ =	shalt  }
0x4c: {  	_ =	shalt  }
0x4d: {  	_ =	shalt  }
0x4e: {  	_ =	shalt  }
0x4f: {  	_ =	shalt  }
0x50: {  	_ =	shalt  }
0x51: {  	_ =	shalt  }
0x52: {  	_ =	shalt  }
0x53: {  	_ =	shalt  }
0x54: {  	_ =	shalt  }
0x55: {  	_ =	shalt  }
0x56: {  	_ =	shalt  }
0x57: {  	_ =	shalt  }
0x58: {  	_ =	shalt  }
0x59: {  	_ =	shalt  }
0x5a: {  	_ =	shalt  }
0x5b: {  	_ =	shalt  }
0x5c: {  	_ =	shalt  }
0x5d: {  	_ =	shalt  }
0x5e: {  	_ =	shalt  }
0x5f: {  	_ =	shalt  }
0x60: {  	_ =	shalt  }
0x61: {  	_ =	shalt  }
0x62: {  	_ =	shalt  }
0x63: {  	_ =	shalt  }
0x64: {  	_ =	shalt  }
0x65: {  	_ =	shalt  }
0x66: {  	_ =	shalt  }
0x67: {  	_ =	shalt  }
0x68: {  	_ =	shalt  }
0x69: {  	_ =	shalt  }
0x6a: {  	_ =	shalt  }
0x6b: {  	_ =	shalt  }
0x6c: {  	_ =	shalt  }
0x6d: {  	_ =	shalt  }
0x6e: {  	_ =	shalt  }
0x6f: {  	_ =	shalt  }
0x70: {  	_ =	shalt  }
0x71: {  	_ =	shalt  }
0x72: {  	_ =	shalt  }
0x73: {  	_ =	shalt  }
0x74: {  	_ =	shalt  }
0x75: {  	_ =	shalt  }
0x76: {  	_ =	shalt  }
0x77: {  	_ =	shalt  }
0x78: {  	_ =	shalt  }
0x79: {  	_ =	shalt  }
0x7a: {  	_ =	shalt  }
0x7b: {  	_ =	shalt  }
0x7c: {  	_ =	shalt  }
0x7d: {  	_ =	shalt  }
0x7e: {  	_ =	shalt  }
0x7f: {  	_ =	shalt  }
0x80: {  	_ =	shalt  }
0x81: {  	_ =	shalt  }
0x82: {  	_ =	shalt  }
0x83: {  	_ =	shalt  }
0x84: {  	_ =	shalt  }
0x85: {  	_ =	shalt  }
0x86: {  	_ =	shalt  }
0x87: {  	_ =	shalt  }
.Lfunc_end0:
.L_simem_size_0:
called_computation_lowered:
.L_overlay_start_0:
0x88: {  	s2 =	sld [smem:$0x3FD9]  }
0x89: {  	s3 =	sld [smem:$0x3FFE];
	_ =	sdelay $0x1  }
0x8a: {  	s1 =	srdreg.scid  }
0x8b: {  	s0 =	sand.u32 $0x1, s1  }
0x8c: {  	s16 =	sshll.u32 s0, $0xA;
	s2 =	sadd.s32 s3, s2  }
0x8d: {  	s2 =	sadd.s32 s2, s16  }
0x8e: {  	[smem:$0x3FC2] =	sst s2  }
0x8f: {  	_ = 	snop  }
0x90: {  	(tm) =	ssettm $0x1  }
0x91: {  	s17 =	sld [smem:$0x3FFB];
	_ =	sdelay $0x3  }
0x92: {  	_ =	strace s17  }
0x93: {  	s2 =	sld [smem:$0x3FFC];
	_ =	sdelay $0x3  }
0x94: {  	_ =	strace s2  }
0x95: {  	s2 =	sld [smem:$0x3FFD];
	_ =	sdelay $0x3  }
0x96: {  	_ =	strace s2  }
0x97: {  	_ =	strace $0x8FFFFFFF  }
0x98: {  	s18 =	sld [smem:$0x3FDB];
	_ =	sdelay $0x1  }
0x99: {  	s19 =	simm.s32 $_scs_section_size  }
0x9a: {  	s4 =	simm.s32 $_size__tile_overlayer_lowered;
	s5 =	simm.s32 $_tile_overlayer_lowered  }
0x9b: {  	s22 =	simm.s32 $0x1BFF;
	s21 =	sshll.u32 s5, $0x1;
	s2 =	sadd.s32 s19, s18  }
0x9c: {  	s6 =	simm.s32 $0x0;
	s20 =	sshll.u32 s4, $0x1;
	s4 =	sadd.s32 s21, s2  }
0x9d: {  	[timem:s6], [sflag:s22] =	dma.local [hbm:s4], s20  }
0x9e: {  	_ =	swait.ge [sflag:s22], s20  }
0x9f: {  	s3 =	ssub.s32 $0x0, s20;
	[sflag:s22] =	ssyncset.done $0x0  }
0xa0: {  	[sflag:s22] =	ssyncadd.s32 s3;
	_ =	sdelay $0x1  }
0xa1: {  	s23 =	simm.s32 $0x1B8B  }
0xa2: {  	_ =	swait.ge [sflag:s23], $0x1  }
0xa3: {  	[sflag:s23] =	ssyncset.done $0x0  }
0xa4: {  	s25 =	simm.s32 $0x1B8E;
	s24 =	sld [smem:$0x3FFE];
	[sflag:s23] =	ssyncadd.s32 $0xFFFFFFFF  }
0xa5: {  	s26 =	simm.s32 $execute0_lowered;
	[smem:$0x3FD2] =	sst s25  }
0xa6: {  	s4 =	sshll.u32 s26, $0x1;
	_ =	strace $0x80000046;
	[dreg:$0x1] =	wrdreg $0xFFFFFFFF  }
0xa7: {  	s28 =	simm.s32 $_size_execute0_lowered;
	s2 =	sadd.s32 s2, s4;
	[dreg:$0x0] =	wrdreg $0x0  }
0xa8: {  	s4 =	sshll.u32 s28, $0x1;
	[dreg:$0x2] =	wrdreg s2  }
0xa9: {  	[dreg:$0x3] =	wrdreg s4  }
0xaa: {  	[dreg:$0x4] =	wrdreg $0xC0  }
0xab: {  	_ =	task [dreg:s6], $0x5FFFF  }
0xac: {  	[dreg:$0x1] =	wrdreg $0xFFFFFFFF  }
0xad: {  	[dreg:$0x0] =	wrdreg $0x60  }
0xae: {  	[dreg:$0x2] =	wrdreg s24  }
0xaf: {  	[dreg:$0x3] =	wrdreg $0x9  }
0xb0: {  	_ =	task.clear_ibuf [dreg:s6], $0x4FFFF;
	_ =	strace $0x90000046  }
0xb1: {  	s29 =	simm.s32 $0x9;
	_ =	strace $0x80000048  }
0xb2: {  	_ =	swait.ge [sflag:s29], $0x1  }
0xb3: {  	[sflag:s29] =	ssyncadd.s32 $0xFFFFFFFF  }
0xb4: {  	_ =	strace $0x90000048  }
0xb5: {  	_ =	sfence  }
0xb6: {  	s30 =	sld [smem:$0x0];
	_ =	sdelay $0x2  }
0xb7: {  	s31 =	sshll.u32 s1, $0xD;
	s1 =	sshrl.u32 s1, $0x2  }
0xb8: {  	s3 =	sand.u32 $0x4000, s31;
	s1 =	sadd.s32 s1, s30  }
0xb9: {  	s0 =	sor.u32 s3, s0;
	s1 =	sshll.u32 s1, $0x11  }
0xba: {  	s0 =	sor.u32 s1, s0  }
0xbb: {  	s0 =	sadd.s32 $0x8F2B, s0  }
0xbc: {  	[sflag:s0] =	ssyncadd.remote.s32 $0x1  }
0xbd: {  	_ =	sfence.sel $0xFFFF  }
0xbe: {  	[dreg:$0x0] =	wrdreg $0xFFFFFFFF;
	(pc) =	sbr.abs _section_cstart, $3  }
0xbf: {  	[dreg:$0x1] =	wrdreg $0xFFFFFFFF  }
0xc0: {  	_ =	task.clear_ibuf [dreg:s6], $0x2FFFF;
	_ =	strace $0x9FFFFFFF  }
0xc1: {  	(tm) =	ssettm $0x7FFFFFFF  }
tec
execute0_lowered:
.L_overlay_start_1:
0x0: {  	(tag) =	ssettag $0x1  }
0x1: {  	s0 =	srdreg.scid  }
0x2: {  	s4 =	rddreg [dreg:$0x0];
	s3 =	sand.u32 $0x1, s0  }
0x3: {  	s1 =	stileid.u32;
	s7 =	simm.s32 $0x2800;
	s2 =	sshll.u32 s3, $0x4  }
0x4: {  	s0 =	rddreg [dreg:$0x1];
	s3 =	ssub.s32 $0x2, s3;
	s5 =	sor.u32 s1, s2  }
0x5: {  	s2 =	simm.s32 $0x0;
	s6 =	sshrl.u32 s3, $0x1;
	s5 =	smul.u32 $0x500, s5  }
0x6: {  	s8 =	simm.s32 $0x0;
	[smem:$0x7FF] =	sst s2;
	s31 =	ssub.s32 s3, s6  }
0x7: {  	s6 =	simm.s32 $0x1;
	_ =	strace $0x80000047;
	s4 =	sadd.s32 s5, s4  }
0x8: {  	v0 =	vimm.f32 $0.0e+00;
	v1 =	vimm.f32 $1.000000000e+00;
	s5 =	smax.u32 s31, $0x1;
	s3 =	sadd.s32 $0x1E00, s4;
	s4 =	sadd.s32 $0xBE00, s4  }
.LBB2_1:
0x9: {  	s9 =	simm.s32 $0x70;
	s10 =	simm.s32 $0x3C0  }
.LBB2_2:
0xa: {  	p0 =	sne.s32 s10, $0x9FC0;
	[tilespmem:s9+$0x2800] =	vst v0  }
0xb: {  	[tilespmem:s9+$0x2790] =	vst v0  }
0xc: {  	[tilespmem:s9+$0x27A0] =	vst v0  }
.Ltmp0:
0xd: {  	[tilespmem:s9+$0x27B0] =	vst v0;
	(pc) =	sbr.rel @p0 .LBB2_2-.Ltmp0, $4  }
0xe: {  	[tilespmem:s9+$0x27C0] =	vst v0  }
0xf: {  	[tilespmem:s9+$0x27D0] =	vst v0  }
0x10: {  	[tilespmem:s9+$0x27E0] =	vst v0  }
0x11: {  	[tilespmem:s9+$0x27F0] =	vst v0;
	s9 =	sshra.s32 s10, $0x2;
	s10 =	sadd.s32 $0x200, s10  }
0x12: {  	[tilespmem:s9+$0x2800] =	vst v0  }
0x13: {  	[tilespmem:s9+$0x2790] =	vst v0  }
0x14: {  	[tilespmem:s9+$0x27A0] =	vst v0  }
0x15: {  	[tilespmem:s9+$0x27B0] =	vst v0  }
0x16: {  	[tilespmem:s9+$0x27C0] =	vst v0  }
0x17: {  	[tilespmem:s9+$0x27D0] =	vst v0  }
0x18: {  	[tilespmem:s9+$0x27E0] =	vst v0  }
0x19: {  	[tilespmem:s9+$0x27F0] =	vst v0  }
0x1a: {  	[tilespmem:s2], [sflag:$0x1] =	stream.linear.gather [hbm4b:s3+s2], $0x2800, $0x38;
	[tilespmem:$0x5000] =	vst v63  }
0x1b: {  	_ =	swait.ge [sflag:s6], $0x2800  }
0x1c: {  	[sflag:s6] =	ssyncset.done $0x0  }
0x1d: {  	s9 =	simm.s32 $0x1C0;
	[sflag:s6] =	ssyncadd.s32 $0xFFFFD800  }
.LBB2_4:
0x1e: {  	s10 =	sshra.s32 s9, $0x2  }
0x1f: {  	v2 =	vld [tilespmem:s10+$0xFFFFFF90];
	_ =	sdelay $0x7  }
0x20: {  	[tilespmem:v2+s7+$0x0] =	vst.idx.add.f32.msk $0xffff, v1  }
0x21: {  	v2 =	vld [tilespmem:s10+$0xFFFFFFA0];
	_ =	sdelay $0x7  }
0x22: {  	[tilespmem:v2+s7+$0x0] =	vst.idx.add.f32.msk $0xffff, v1  }
0x23: {  	v2 =	vld [tilespmem:s10+$0xFFFFFFB0];
	_ =	sdelay $0x7  }
0x24: {  	[tilespmem:v2+s7+$0x0] =	vst.idx.add.f32.msk $0xffff, v1  }
0x25: {  	v2 =	vld [tilespmem:s10+$0xFFFFFFC0];
	_ =	sdelay $0x7  }
0x26: {  	[tilespmem:v2+s7+$0x0] =	vst.idx.add.f32.msk $0xffff, v1  }
0x27: {  	v2 =	vld [tilespmem:s10+$0xFFFFFFD0];
	_ =	sdelay $0x7  }
0x28: {  	[tilespmem:v2+s7+$0x0] =	vst.idx.add.f32.msk $0xffff, v1  }
0x29: {  	v2 =	vld [tilespmem:s10+$0xFFFFFFE0];
	_ =	sdelay $0x7  }
0x2a: {  	[tilespmem:v2+s7+$0x0] =	vst.idx.add.f32.msk $0xffff, v1  }
0x2b: {  	v2 =	vld [tilespmem:s10+$0xFFFFFFF0];
	_ =	sdelay $0x7  }
0x2c: {  	[tilespmem:v2+s7+$0x0] =	vst.idx.add.f32.msk $0xffff, v1  }
0x2d: {  	v2 =	vld [tilespmem:s10+$0x0];
	_ =	sdelay $0x2  }
0x2e: {  	p0 =	sne.s32 s9, $0x9FC0  }
.Ltmp1:
0x2f: {  	_ = 	snop;
	(pc) =	sbr.rel @p0 .LBB2_4-.Ltmp1, $2  }
0x30: {  	_ =	sdelay $0x2  }
0x31: {  	s9 =	sadd.s32 $0x200, s9;
	[tilespmem:v2+s7+$0x0] =	vst.idx.add.f32.msk $0xffff, v1  }
0x32: {  	s8 =	sadd.s32 $0x1, s8  }
0x33: {  	p0 =	sne.s32 s8, s5  }
.Ltmp2:
0x34: {  	_ = 	snop;
	(pc) =	sbr.rel @p0 .LBB2_1-.Ltmp2, $4  }
0x35: {  	[hbm4b:s4+s2] =	stream.linear.scatter [tilespmem:s7], [sflag:$0x1], $0x2800, $0x38;
	[tilespmem:$0x5000] =	vst v63  }
0x36: {  	_ =	swait.ge [sflag:s6], $0x2800  }
0x37: {  	[sflag:s6] =	ssyncset.done $0x0  }
0x38: {  	[sflag:s6] =	ssyncadd.s32 $0xFFFFD800  }
0x39: {  	_ =	sfence.sel $0x180000  }
0x3a: {  	[bflag:$0x0] =	sbarrier.arrive $0xFFFF  }
0x3b: {  	p0 =	sne.s32 s1, $0x0;
	_ =	strace $0x90000047  }
0x3c: {  	s0 =	sadd.s32 @!p0 $0x100000, s0;
	[bflag:$0x2] =	sbarrier.arrive $0xFFFF  }
0x3d: {  	[sflag:s0] =	ssyncadd.tile.s32 @!p0 $0x1;
	_ =	shalt  }
.Lfunc_end2:
_tile_overlayer_lowered:
.L_overlay_start_2:
0x3e: {  	(tag) =	ssettag $0x2  }
0x3f: {  	s0 =	rddreg [dreg:$0x0];
	s2 =	stileid.u32  }
0x40: {  	s1 =	rddreg [dreg:$0x1];
	p0 =	sne.s32 s2, $0x0  }
0x41: {  	s3 =	rddreg [dreg:$0x2];
	[bflag:$0x3] =	sbarrier.arrive $0xFFFF;
	s2 =	simm.s32 @!p0 $0x1C01  }
0x42: {  	[timem:s3], [sflag:s2] =	dma.local @!p0 [hbm:s0], s1  }
0x43: {  	s0 =	simm.s32 @!p0 $0x1  }
0x44: {  	_ =	swait.ge @!p0 [sflag:s0], s1  }
0x45: {  	s1 =	ssub.s32 @!p0 $0x0, s1;
	[sflag:s0] =	ssyncset.done @!p0 $0x0  }
0x46: {  	[sflag:s0] =	ssyncadd.s32 @!p0 s1  }
0x47: {  	[bflag:$0x3] =	sbarrier.arrive $0xFFFF  }
0x48: {  	_ =	shalt  }

// kernel: kernel.9.cloned.1.call-start
scs
__scs_entry_jumppad:
0x0: {  	(pc) =	sbr.rel $0x88, $3  }
0x1: {  	(tag) =	ssettag $0x0;
	lr =	simm.s32 $0x1  }
0x2: {  	[smem:$0x3F9B] =	sst lr;
	_ =	strace $0xD0000000  }
0x3: {  	_ = 	snop  }
0x4: {  	_ = 	snop  }
0x5: {  	_ = 	snop  }
0x6: {  	_ = 	snop  }
0x7: {  	_ = 	snop  }
__scs_overlays_trampoline_lowered:
0x8: {  	[smem:$0x3FAA] =	sst s0  }
0x9: {  	[smem:$0x3FAB] =	sst s1  }
0xa: {  	[smem:$0x3FAC] =	sst s2  }
0xb: {  	[smem:$0x3FAD] =	sst s3  }
0xc: {  	[smem:$0x3FAE] =	sst s4  }
0xd: {  	[smem:$0x3FAF] =	sst s5  }
0xe: {  	[smem:$0x3FB0] =	sst s6  }
0xf: {  	[smem:$0x3FB1] =	sst s7  }
0x10: {  	[smem:$0x3FB2] =	sst s8  }
0x11: {  	[smem:$0x3FB3] =	sst s9;
	s0 =	simm.s32 @!p0 $0x0  }
0x12: {  	s1 =	sld [smem:$0x3F99];
	s0 =	simm.s32 @p0 $0x1  }
0x13: {  	[smem:$0x3FB4] =	sst s0;
	s0 =	simm.s32 @!p1 $0x0  }
0x14: {  	s2 =	sld [smem:$0x3F98];
	s0 =	simm.s32 @p1 $0x1  }
0x15: {  	[smem:$0x3FB5] =	sst s0;
	s0 =	simm.s32 @!p2 $0x0  }
0x16: {  	s3 =	sld [smem:$0x3FDB];
	s0 =	simm.s32 @p2 $0x1  }
0x17: {  	s4 =	simm.s32 $0x1BF5;
	[smem:$0x3FB7] =	sst s0  }
0x18: {  	s0 =	sld [smem:$0x3F9A];
	_ =	swait.ge [sflag:s4], $0x0  }
0x19: {  	s7 =	sld [smem:$0x3F9B]  }
0x1a: {  	s8 =	sadd.s32 $0xFFFFE003, lr  }
0x1b: {  	s9 =	sadd.s32 $0xFFFFFEF7, lr;
	s5 =	simm.s32 $0xFFFFFFFF;
	p2 =	slt.u32 s8, $0xFFFFF086  }
0x1c: {  	p1 =	slt.u32 s9, $0xF7A;
	s5 =	simm.s32 @!p2 $0x0  }
0x1d: {  	s5 =	simm.s32 @p1 $0x1;
	p0 =	seq.s32 s7, s2  }
0x1e: {  	s7 =	smul.u32 @!p0 $0xF7A, s2;
	p2 =	seq.s32 @!p0 s5, $0x0  }
0x1f: {  	s9 =	smul.u32 $0xF7A, s1;
	s8 =	simm.s32 @!p0 $0x1BF5;
	p2 =	por !p2, p0  }
0x20: {  	[sflag:s8] =	ssyncset.s32 @!p0 $0xFFFFF086;
	s6 =	sadd.s32 @!p0 s3, s7;
	s7 =	simm.s32 @!p0 $0x108  }
0x21: {  	s3 =	sadd.s32 s3, s9;
	s6 =	sadd.s32 @!p0 $0x88, s6;
	s7 =	simm.s32 @p2 $0x1082  }
0x22: {  	[simem:s7], [sflag:s8] =	dma.local @!p0 [hbm:s6], $0xF7A  }
0x23: {  	s9 =	sor.u32 $0xD0000000, s2;
	s6 =	simm.s32 $0x108;
	_ =	swait.ge @!p0 [sflag:s8], $0x0  }
0x24: {  	s3 =	sadd.s32 $0x88, s3;
	s6 =	simm.s32 @!p1 $0x1082;
	[sflag:s4] =	ssyncset.s32 $0xFFFFF086  }
0x25: {  	[simem:s6], [sflag:s4] =	dma.local [hbm:s3], $0xF7A  }
0x26: {  	[smem:$0x3F9B] =	sst s1;
	(tag) =	ssettag s2;
	_ =	strace s9  }
0x27: {  	s1 =	sld [smem:$0x3FAB]  }
0x28: {  	s2 =	sld [smem:$0x3FAC]  }
0x29: {  	s4 =	sld [smem:$0x3FAE]  }
0x2a: {  	p0 =	seq.s32 s5, $0x0;
	s5 =	sld [smem:$0x3FAF]  }
0x2b: {  	s6 =	sld [smem:$0x3FB0]  }
0x2c: {  	s7 =	sld [smem:$0x3FB1]  }
0x2d: {  	s3 =	simm.s32 $0x108;
	s8 =	sld [smem:$0x3FB2]  }
0x2e: {  	s3 =	simm.s32 @!p0 $0x1082;
	s9 =	sld [smem:$0x3FB3]  }
0x2f: {  	lr =	sadd.s32 s0, s3;
	s0 =	sld [smem:$0x3FAA]  }
0x30: {  	s3 =	sld [smem:$0x3FAD]  }
0x31: {  	[smem:$0x3FB6] =	sst s10  }
0x32: {  	s10 =	sld [smem:$0x3FB4];
	_ =	sdelay $0x3  }
0x33: {  	p0 =	seq.s32 s10, $0x1;
	s10 =	sld [smem:$0x3FB6];
	_ =	sdelay $0x3  }
0x34: {  	[smem:$0x3FB6] =	sst s10  }
0x35: {  	s10 =	sld [smem:$0x3FB5];
	_ =	sdelay $0x3  }
0x36: {  	p1 =	seq.s32 s10, $0x1;
	s10 =	sld [smem:$0x3FB6];
	_ =	sdelay $0x3  }
0x37: {  	[smem:$0x3FB6] =	sst s10  }
0x38: {  	s10 =	sld [smem:$0x3FB7]  }
0x39: {  	_ = 	snop;
	(pc) =	sbr.ind lr, $3  }
0x3a: {  	_ = 	snop  }
0x3b: {  	_ = 	snop  }
0x3c: {  	p2 =	seq.s32 s10, $0x1;
	s10 =	sld [smem:$0x3FB6]  }
0x3d: {  	_ =	shalt  }
0x3e: {  	_ =	shalt  }
0x3f: {  	_ =	shalt  }
0x40: {  	_ =	shalt  }
0x41: {  	_ =	shalt  }
0x42: {  	_ =	shalt  }
0x43: {  	_ =	shalt  }
0x44: {  	_ =	shalt  }
0x45: {  	_ =	shalt  }
0x46: {  	_ =	shalt  }
0x47: {  	_ =	shalt  }
0x48: {  	_ =	shalt  }
0x49: {  	_ =	shalt  }
0x4a: {  	_ =	shalt  }
0x4b: {  	_ =	shalt  }
0x4c: {  	_ =	shalt  }
0x4d: {  	_ =	shalt  }
0x4e: {  	_ =	shalt  }
0x4f: {  	_ =	shalt  }
0x50: {  	_ =	shalt  }
0x51: {  	_ =	shalt  }
0x52: {  	_ =	shalt  }
0x53: {  	_ =	shalt  }
0x54: {  	_ =	shalt  }
0x55: {  	_ =	shalt  }
0x56: {  	_ =	shalt  }
0x57: {  	_ =	shalt  }
0x58: {  	_ =	shalt  }
0x59: {  	_ =	shalt  }
0x5a: {  	_ =	shalt  }
0x5b: {  	_ =	shalt  }
0x5c: {  	_ =	shalt  }
0x5d: {  	_ =	shalt  }
0x5e: {  	_ =	shalt  }
0x5f: {  	_ =	shalt  }
0x60: {  	_ =	shalt  }
0x61: {  	_ =	shalt  }
0x62: {  	_ =	shalt  }
0x63: {  	_ =	shalt  }
0x64: {  	_ =	shalt  }
0x65: {  	_ =	shalt  }
0x66: {  	_ =	shalt  }
0x67: {  	_ =	shalt  }
0x68: {  	_ =	shalt  }
0x69: {  	_ =	shalt  }
0x6a: {  	_ =	shalt  }
0x6b: {  	_ =	shalt  }
0x6c: {  	_ =	shalt  }
0x6d: {  	_ =	shalt  }
0x6e: {  	_ =	shalt  }
0x6f: {  	_ =	shalt  }
0x70: {  	_ =	shalt  }
0x71: {  	_ =	shalt  }
0x72: {  	_ =	shalt  }
0x73: {  	_ =	shalt  }
0x74: {  	_ =	shalt  }
0x75: {  	_ =	shalt  }
0x76: {  	_ =	shalt  }
0x77: {  	_ =	shalt  }
0x78: {  	_ =	shalt  }
0x79: {  	_ =	shalt  }
0x7a: {  	_ =	shalt  }
0x7b: {  	_ =	shalt  }
0x7c: {  	_ =	shalt  }
0x7d: {  	_ =	shalt  }
0x7e: {  	_ =	shalt  }
0x7f: {  	_ =	shalt  }
0x80: {  	_ =	shalt  }
0x81: {  	_ =	shalt  }
0x82: {  	_ =	shalt  }
0x83: {  	_ =	shalt  }
0x84: {  	_ =	shalt  }
0x85: {  	_ =	shalt  }
0x86: {  	_ =	shalt  }
0x87: {  	_ =	shalt  }
.Lfunc_end0:
.L_simem_size_0:
called_computation.1_lowered:
.L_overlay_start_0:
0x88: {  	s2 =	sld [smem:$0x3FD9]  }
0x89: {  	s3 =	sld [smem:$0x3FFE];
	_ =	sdelay $0x1  }
0x8a: {  	s1 =	srdreg.scid  }
0x8b: {  	s0 =	sand.u32 $0x1, s1  }
0x8c: {  	s17 =	sshll.u32 s0, $0xA;
	s2 =	sadd.s32 s3, s2  }
0x8d: {  	s2 =	sadd.s32 s2, s17  }
0x8e: {  	[smem:$0x3FC2] =	sst s2  }
0x8f: {  	_ = 	snop  }
0x90: {  	s2 =	sld [smem:$0x3FD0];
	(tm) =	ssettm $0x1  }
0x91: {  	s18 =	sld [smem:$0x3FFB];
	_ =	sdelay $0x3  }
0x92: {  	_ =	strace s18  }
0x93: {  	s3 =	sld [smem:$0x3FFC];
	_ =	sdelay $0x3  }
0x94: {  	_ =	strace s3  }
0x95: {  	s3 =	sld [smem:$0x3FFD];
	_ =	sdelay $0x3  }
0x96: {  	_ =	strace s3  }
0x97: {  	_ =	strace $0x8FFFFFFF  }
0x98: {  	s19 =	sld [smem:$0x3FDB];
	_ =	sdelay $0x1  }
0x99: {  	s4 =	simm.s32 $_scs_section_size  }
0x9a: {  	s5 =	simm.s32 $_size__tile_overlayer_lowered;
	s6 =	simm.s32 $_tile_overlayer_lowered  }
0x9b: {  	s22 =	simm.s32 $0x1BFF;
	s21 =	sshll.u32 s6, $0x1;
	s3 =	sadd.s32 s4, s19  }
0x9c: {  	s7 =	simm.s32 $0x0;
	s20 =	sshll.u32 s5, $0x1;
	s5 =	sadd.s32 s21, s3  }
0x9d: {  	[timem:s7], [sflag:s22] =	dma.local [hbm:s5], s20  }
0x9e: {  	_ =	swait.ge [sflag:s22], s20  }
0x9f: {  	s4 =	ssub.s32 $0x0, s20;
	[sflag:s22] =	ssyncset.done $0x0  }
0xa0: {  	[sflag:s22] =	ssyncadd.s32 s4;
	_ =	sdelay $0x1  }
0xa1: {  	s23 =	simm.s32 $0x1B8B  }
0xa2: {  	_ =	swait.ge [sflag:s23], $0x1  }
0xa3: {  	[sflag:s23] =	ssyncset.done $0x0  }
0xa4: {  	s25 =	simm.s32 $0x1B8E;
	s24 =	sld [smem:$0x3FFE];
	[sflag:s23] =	ssyncadd.s32 $0xFFFFFFFF  }
0xa5: {  	s26 =	simm.s32 $execute0_lowered;
	[smem:$0x3FD2] =	sst s25  }
0xa6: {  	s5 =	sshll.u32 s26, $0x1;
	_ =	strace $0x80000049;
	[dreg:$0x1] =	wrdreg $0xFFFFFFFF  }
0xa7: {  	s28 =	simm.s32 $_size_execute0_lowered;
	s3 =	sadd.s32 s3, s5;
	[dreg:$0x0] =	wrdreg $0x0  }
0xa8: {  	s5 =	sshll.u32 s28, $0x1;
	[dreg:$0x2] =	wrdreg s3  }
0xa9: {  	[dreg:$0x3] =	wrdreg s5  }
0xaa: {  	[dreg:$0x4] =	wrdreg $0xC0  }
0xab: {  	_ =	task [dreg:s7], $0x5FFFF  }
0xac: {  	[dreg:$0x1] =	wrdreg $0xFFFFFFFF  }
0xad: {  	[dreg:$0x0] =	wrdreg $0x60  }
0xae: {  	[dreg:$0x2] =	wrdreg s24  }
0xaf: {  	[dreg:$0x3] =	wrdreg s2  }
0xb0: {  	[dreg:$0x4] =	wrdreg $0xAC000  }
0xb1: {  	[dreg:$0x5] =	wrdreg $0x9  }
0xb2: {  	_ =	task.clear_ibuf [dreg:s7], $0x6FFFF;
	_ =	strace $0x90000049  }
0xb3: {  	s29 =	simm.s32 $0x9;
	_ =	strace $0x8000004B  }
0xb4: {  	_ =	swait.ge [sflag:s29], $0x1  }
0xb5: {  	[sflag:s29] =	ssyncadd.s32 $0xFFFFFFFF  }
0xb6: {  	_ =	strace $0x9000004B  }
0xb7: {  	_ =	sfence  }
0xb8: {  	s30 =	sld [smem:$0x0];
	_ =	sdelay $0x2  }
0xb9: {  	s31 =	sshll.u32 s1, $0xD;
	s1 =	sshrl.u32 s1, $0x2  }
0xba: {  	s3 =	sand.u32 $0x4000, s31;
	s1 =	sadd.s32 s1, s30  }
0xbb: {  	s0 =	sor.u32 s3, s0;
	s1 =	sshll.u32 s1, $0x11  }
0xbc: {  	s0 =	sor.u32 s1, s0  }
0xbd: {  	s0 =	sadd.s32 $0x8F2B, s0  }
0xbe: {  	[sflag:s0] =	ssyncadd.remote.s32 $0x1  }
0xbf: {  	_ =	sfence.sel $0xFFFF  }
0xc0: {  	[dreg:$0x0] =	wrdreg $0xFFFFFFFF;
	(pc) =	sbr.abs _section_cstart, $3  }
0xc1: {  	[dreg:$0x1] =	wrdreg $0xFFFFFFFF  }
0xc2: {  	_ =	task.clear_ibuf [dreg:s7], $0x2FFFF;
	_ =	strace $0x9FFFFFFF  }
0xc3: {  	(tm) =	ssettm $0x7FFFFFFF  }
tec
execute0_lowered:
.L_overlay_start_1:
0x0: {  	(tag) =	ssettag $0x1  }
0x1: {  	s0 =	rddreg [dreg:$0x0]  }
0x2: {  	s2 =	rddreg [dreg:$0x1]  }
0x3: {  	s1 =	rddreg [dreg:$0x2]  }
0x4: {  	s3 =	srdreg.scid;
	s11 =	stileid.u32  }
0x5: {  	s16 =	simm.s32 $0xA800;
	s17 =	simm.s32 $0x2800;
	s18 =	simm.s32 $0x3  }
0x6: {  	s30 =	simm.s32 $0x2780;
	s31 =	simm.s32 $0x0;
	s7 =	smul.u32 $0x14000, s11  }
0x7: {  	s5 =	sand.u32 $0x1, s3;
	s3 =	simm.s32 $0x0;
	s9 =	smul.u32 $0x50, s11  }
0x8: {  	s4 =	sadd.s32 $0xBE00, s0;
	s14 =	sadd.s32 $0x1E00, s0;
	s19 =	smul.u32 $0x280, s11  }
0x9: {  	s6 =	smul.u32 $0x140000, s5;
	[smem:$0x7FF] =	sst s3;
	s20 =	ssub.s32 $0x2, s5  }
0xa: {  	s5 =	smul.u32 $0x500, s5;
	_ =	strace $0x8000004A;
	s8 =	sshrl.u32 s20, $0x1  }
0xb: {  	s24 =	sor.u32 $0x10, s19;
	s22 =	sor.u32 $0x20, s19;
	s25 =	sor.u32 $0x40, s19  }
0xc: {  	s26 =	sor.u32 $0x50, s19;
	s28 =	sor.u32 $0x60, s19;
	s29 =	sor.u32 $0x70, s19  }
0xd: {  	s6 =	sadd.s32 s7, s6;
	s10 =	ssub.s32 s20, s8;
	s21 =	sadd.s32 s9, s5  }
0xe: {  	s20 =	simm.s32 $0xA900;
	v1 =	vmov s24;
	v2 =	vmov s22;
	s22 =	simm.s32 $0xAA00;
	s24 =	simm.s32 $0x1  }
0xf: {  	v4 =	vmov s25;
	v5 =	vmov s26;
	v6 =	vmov s28;
	s25 =	simm.s32 $0x6800;
	s26 =	simm.s32 $0x2;
	s28 =	simm.s32 $0x1380  }
0x10: {  	v7 =	vmov s29;
	s29 =	simm.s32 $0x2700;
	s6 =	sshrl.u32 s6, $0x3;
	s10 =	smax.u32 s10, $0x1  }
0x11: {  	s13 =	sshll.u32 s21, $0x4;
	s21 =	simm.s32 $0xA980;
	s0 =	sadd.s32 s6, s0  }
0x12: {  	s11 =	sadd.s32 s2, s13;
	s12 =	sadd.s32 s14, s13;
	s15 =	sadd.s32 $0x280, s13  }
0x13: {  	s23 =	sadd.s32 $0x33E00, s0;
	s6 =	sadd.s32 $0x34600, s0;
	s7 =	sadd.s32 $0x34E00, s0  }
0x14: {  	s8 =	sadd.s32 $0x35600, s0;
	s9 =	sadd.s32 $0x35E00, s0;
	s13 =	sadd.s32 s2, s15  }
0x15: {  	v8 =	vimm.f32 $0.0e+00;
	s14 =	sadd.s32 s14, s15;
	[dreg:$0x4] =	wrdreg s23;
	s23 =	sor.u32 $0x30, s19  }
0x16: {  	v9 =	vlaneseq.u32;
	v0 =	vmov s19;
	s15 =	simm.s32 $0x80;
	s19 =	simm.s32 $0xA880;
	v3 =	vmov s23;
	s23 =	simm.s32 $0x1400  }
.LBB2_1:
0x17: {  	s0 =	simm.s32 $0x0;
	s2 =	simm.s32 $0x200  }
.LBB2_2:
0x18: {  	p0 =	sne.s32 s2, $0x1FE00;
	[tilespmem:s0+$0x2870] =	vst v8  }
0x19: {  	[tilespmem:s0+$0x2800] =	vst v8  }
0x1a: {  	[tilespmem:s0+$0x2810] =	vst v8  }
.Ltmp0:
0x1b: {  	[tilespmem:s0+$0x2820] =	vst v8;
	(pc) =	sbr.rel @p0 .LBB2_2-.Ltmp0, $4  }
0x1c: {  	[tilespmem:s0+$0x2830] =	vst v8  }
0x1d: {  	[tilespmem:s0+$0x2840] =	vst v8  }
0x1e: {  	[tilespmem:s0+$0x2850] =	vst v8  }
0x1f: {  	[tilespmem:s0+$0x2860] =	vst v8;
	s0 =	sshra.s32 s2, $0x2;
	s2 =	sadd.s32 $0x200, s2  }
0x20: {  	[tilespmem:s0+$0x2870] =	vst v8  }
0x21: {  	[tilespmem:s0+$0x2800] =	vst v8  }
0x22: {  	[tilespmem:s0+$0x2810] =	vst v8  }
0x23: {  	[tilespmem:s0+$0x2820] =	vst v8  }
0x24: {  	[tilespmem:s0+$0x2830] =	vst v8  }
0x25: {  	[tilespmem:s0+$0x2840] =	vst v8;
	s2 =	simm.s32 $0x0  }
0x26: {  	[tilespmem:s0+$0x2850] =	vst v8;
	v10 =	vor.u32 s2, v9  }
0x27: {  	[tilespmem:s0+$0x2860] =	vst v8;
	s0 =	simm.s32 $0xA840;
	v11 =	vadd.s32 v7, v10  }
0x28: {  	v12 =	vadd.s32 v0, v10;
	[tilespmem:s0+$0x30] =	vst v11  }
0x29: {  	v62 =	vadd.s32 v2, v10;
	[tilespmem:s0+$0xFFFFFFC0] =	vst v12  }
0x2a: {  	v63 =	vadd.s32 v4, v10;
	[tilespmem:s0+$0xFFFFFFE0] =	vst v62  }
0x2b: {  	v13 =	vadd.s32 v5, v10;
	[tilespmem:s0+$0x0] =	vst v63  }
0x2c: {  	v11 =	vadd.s32 v1, v10;
	[tilespmem:s0+$0x10] =	vst v13  }
0x2d: {  	s5 =	simm.s32 $0x80;
	[tilespmem:s0+$0xFFFFFFD0] =	vst v11;
	v11 =	vadd.s32 v3, v10  }
0x2e: {  	s2 =	simm.s32 $0x100;
	[tilespmem:s0+$0xFFFFFFF0] =	vst v11;
	v11 =	vadd.s32 v6, v10;
	v10 =	vor.u32 s5, v9  }
.LBB2_4:
0x2f: {  	p0 =	sne.s32 s2, $0x200;
	v12 =	vadd.s32 v0, v10;
	v13 =	vadd.s32 v1, v10;
	v14 =	vadd.s32 v7, v10;
	[tilespmem:s0+$0x20] =	vst v11;
	s0 =	sadd.s32 $0x80, s0  }
0x30: {  	v15 =	vadd.s32 v2, v10;
	v16 =	vadd.s32 v3, v10;
	v17 =	vadd.s32 v4, v10;
	[tilespmem:s0+$0x30] =	vst v14  }
0x31: {  	v11 =	vadd.s32 v6, v10;
	[tilespmem:s0+$0xFFFFFFC0] =	vst v12;
	v12 =	vadd.s32 v5, v10  }
.Ltmp1:
0x32: {  	[tilespmem:s0+$0xFFFFFFD0] =	vst v13;
	(pc) =	sbr.rel @p0 .LBB2_4-.Ltmp1, $4  }
0x33: {  	[tilespmem:s0+$0xFFFFFFE0] =	vst v15  }
0x34: {  	[tilespmem:s0+$0xFFFFFFF0] =	vst v16  }
0x35: {  	[tilespmem:s0+$0x0] =	vst v17  }
0x36: {  	v10 =	vor.u32 s2, v9;
	s2 =	sadd.s32 $0x80, s2;
	[tilespmem:s0+$0x10] =	vst v12  }
0x37: {  	v12 =	vadd.s32 v7, v10;
	[tilespmem:s0+$0x20] =	vst v11;
	s2 =	sadd.s32 $0x80, s0  }
0x38: {  	v11 =	vadd.s32 v0, v10;
	[tilespmem:s2+$0x30] =	vst v12  }
0x39: {  	v61 =	vadd.s32 v1, v10;
	[tilespmem:s2+$0xFFFFFFC0] =	vst v11  }
0x3a: {  	v62 =	vadd.s32 v3, v10;
	[tilespmem:s2+$0xFFFFFFD0] =	vst v61  }
0x3b: {  	v63 =	vadd.s32 v5, v10;
	[tilespmem:s2+$0xFFFFFFF0] =	vst v62  }
0x3c: {  	v11 =	vadd.s32 v2, v10;
	[tilespmem:s2+$0x10] =	vst v63  }
0x3d: {  	[tilespmem:s2+$0xFFFFFFE0] =	vst v11;
	v11 =	vadd.s32 v4, v10  }
0x3e: {  	v10 =	vadd.s32 v6, v10;
	[tilespmem:s2+$0x0] =	vst v11  }
0x3f: {  	[tilespmem:s2+$0x20] =	vst v10  }
0x40: {  	[spmem:s1] =	stream.indirect.scatter [tilespmem:s17], [sflag:$0x3], $0x80, s16, s15, $0xb8;
	[tilespmem:$0x1EC00] =	vst v63  }
0x41: {  	_ =	swait.ge [sflag:s18], $0x4000  }
0x42: {  	[sflag:s18] =	ssyncset.done $0x0  }
0x43: {  	[sflag:s18] =	ssyncadd.s32 $0xFFFFC000  }
0x44: {  	[spmem:s1] =	stream.indirect.scatter [tilespmem:s17], [sflag:$0x3], $0x80, s19, s15, $0xb8;
	[tilespmem:$0x1EC00] =	vst v63  }
0x45: {  	_ =	swait.ge [sflag:s18], $0x4000  }
0x46: {  	[sflag:s18] =	ssyncset.done $0x0  }
0x47: {  	[sflag:s18] =	ssyncadd.s32 $0xFFFFC000  }
0x48: {  	[spmem:s1] =	stream.indirect.scatter [tilespmem:s17], [sflag:$0x3], $0x80, s20, s15, $0xb8;
	[tilespmem:$0x1EC00] =	vst v63  }
0x49: {  	_ =	swait.ge [sflag:s18], $0x4000  }
0x4a: {  	[sflag:s18] =	ssyncset.done $0x0  }
0x4b: {  	[sflag:s18] =	ssyncadd.s32 $0xFFFFC000  }
0x4c: {  	[spmem:s1] =	stream.indirect.scatter [tilespmem:s17], [sflag:$0x3], $0x80, s21, s15, $0xb8;
	[tilespmem:$0x1EC00] =	vst v63  }
0x4d: {  	_ =	swait.ge [sflag:s18], $0x4000  }
0x4e: {  	[sflag:s18] =	ssyncset.done $0x0  }
0x4f: {  	[sflag:s18] =	ssyncadd.s32 $0xFFFFC000  }
0x50: {  	[spmem:s1] =	stream.indirect.scatter [tilespmem:s17], [sflag:$0x3], $0x80, s22, s15, $0xb8;
	[tilespmem:$0x1EC00] =	vst v63  }
0x51: {  	_ =	swait.ge [sflag:s18], $0x4000  }
0x52: {  	[sflag:s18] =	ssyncset.done $0x0  }
0x53: {  	[sflag:s18] =	ssyncadd.s32 $0xFFFFC000  }
0x54: {  	s5 =	simm.s32 $0x0;
	[bflag:$0x0] =	sbarrier.arrive $0xFFFF  }
0x55: {  	[tilespmem:s5], [sflag:$0x3] =	stream.linear.gather [hbm4b:s11+s5], $0x1400, $0x38;
	[tilespmem:$0x1EC00] =	vst v63  }
0x56: {  	_ =	swait.ge [sflag:s18], $0x1400  }
0x57: {  	[sflag:s18] =	ssyncset.done $0x0  }
0x58: {  	[sflag:s18] =	ssyncadd.s32 $0xFFFFEC00  }
0x59: {  	[tilespmem:s23], [sflag:$0x3] =	stream.linear.gather [hbm4b:s12+s5], $0x1400, $0x38;
	[tilespmem:$0x1EC00] =	vst v63  }
0x5a: {  	_ =	swait.ge [sflag:s18], $0x1400  }
0x5b: {  	[sflag:s18] =	ssyncset.done $0x0  }
0x5c: {  	[sflag:s18] =	ssyncadd.s32 $0xFFFFEC00  }
0x5d: {  	[tilespmem:s17], [sflag:$0x1] =	stream.indirect.gather [hbm4b:s4+s15], $0x80, s5, s15, $0xb8;
	[tilespmem:$0x1EC00] =	vst v63  }
0x5e: {  	_ =	swait.ge [sflag:s24], $0x4000  }
0x5f: {  	[sflag:s24] =	ssyncset.done $0x0  }
0x60: {  	s2 =	simm.s32 $0x80;
	[sflag:s24] =	ssyncadd.s32 $0xFFFFC000  }
0x61: {  	[tilespmem:s25], [sflag:$0x2] =	stream.indirect.gather [hbm4b:s4+s15], $0x80, s2, s15, $0xb8;
	[tilespmem:$0x1EC00] =	vst v63  }
0x62: {  	s5 =	simm.s32 $0x1400  }
0x63: {  	[spmem:s1] =	stream.indirect.scatter.add.f32 [tilespmem:s17], [sflag:$0x3], $0x80, s5, s15, $0xb8;
	[tilespmem:$0x1EC00] =	vst v63  }
0x64: {  	_ =	swait.ge [sflag:s18], $0x4000  }
0x65: {  	[sflag:s18] =	ssyncset.done $0x0  }
0x66: {  	[sflag:s18] =	ssyncadd.s32 $0xFFFFC000  }
0x67: {  	_ =	swait.ge [sflag:s26], $0x4000  }
0x68: {  	[sflag:s26] =	ssyncset.done $0x0  }
0x69: {  	s2 =	simm.s32 $0x100;
	[sflag:s26] =	ssyncadd.s32 $0xFFFFC000  }
0x6a: {  	[tilespmem:s17], [sflag:$0x1] =	stream.indirect.gather [hbm4b:s4+s15], $0x80, s2, s15, $0xb8;
	[tilespmem:$0x1EC00] =	vst v63  }
0x6b: {  	s5 =	simm.s32 $0x1480  }
0x6c: {  	[spmem:s1] =	stream.indirect.scatter.add.f32 [tilespmem:s25], [sflag:$0x3], $0x80, s5, s15, $0xb8;
	[tilespmem:$0x1EC00] =	vst v63  }
0x6d: {  	_ =	swait.ge [sflag:s18], $0x4000  }
0x6e: {  	s0 =	simm.s32 $0x400;
	[sflag:s18] =	ssyncset.done $0x0  }
.LBB2_6:
0x6f: {  	p0 =	sne.s32 s0, $0x4800  }
0x70: {  	[sflag:s18] =	ssyncadd.s32 $0xFFFFC000;
	s2 =	smov.u32 s0;
	s0 =	sadd.s32 $0x400, s0  }
0x71: {  	_ = 	snop  }
0x72: {  	_ =	swait.ge [sflag:s24], $0x4000  }
0x73: {  	s2 =	sshra.s32 s2, $0x2;
	[sflag:s24] =	ssyncset.done $0x0  }
0x74: {  	s5 =	sadd.s32 $0x80, s2;
	[sflag:s24] =	ssyncadd.s32 $0xFFFFC000  }
0x75: {  	[tilespmem:s25], [sflag:$0x2] =	stream.indirect.gather [hbm4b:s4+s15], $0x80, s5, s15, $0xb8;
	[tilespmem:$0x1EC00] =	vst v63  }
0x76: {  	s5 =	sadd.s32 $0x1400, s2  }
0x77: {  	[spmem:s1] =	stream.indirect.scatter.add.f32 [tilespmem:s17], [sflag:$0x3], $0x80, s5, s15, $0xb8;
	[tilespmem:$0x1EC00] =	vst v63  }
0x78: {  	_ =	swait.ge [sflag:s18], $0x4000  }
0x79: {  	[sflag:s18] =	ssyncset.done $0x0  }
0x7a: {  	[sflag:s18] =	ssyncadd.s32 $0xFFFFC000  }
0x7b: {  	_ =	swait.ge [sflag:s26], $0x4000  }
0x7c: {  	[sflag:s26] =	ssyncset.done $0x0  }
0x7d: {  	s5 =	sadd.s32 $0x100, s2;
	[sflag:s26] =	ssyncadd.s32 $0xFFFFC000  }
0x7e: {  	[tilespmem:s17], [sflag:$0x1] =	stream.indirect.gather [hbm4b:s4+s15], $0x80, s5, s15, $0xb8;
	[tilespmem:$0x1EC00] =	vst v63  }
.Ltmp2:
0x7f: {  	_ = 	snop;
	(pc) =	sbr.rel @p0 .LBB2_6-.Ltmp2, $4  }
0x80: {  	s2 =	sadd.s32 $0x1480, s2  }
0x81: {  	[spmem:s1] =	stream.indirect.scatter.add.f32 [tilespmem:s25], [sflag:$0x3], $0x80, s2, s15, $0xb8;
	[tilespmem:$0x1EC00] =	vst v63  }
0x82: {  	_ =	swait.ge [sflag:s18], $0x4000  }
0x83: {  	[sflag:s18] =	ssyncset.done $0x0  }
0x84: {  	[sflag:s18] =	ssyncadd.s32 $0xFFFFC000  }
0x85: {  	_ =	swait.ge [sflag:s24], $0x4000  }
0x86: {  	[sflag:s24] =	ssyncset.done $0x0  }
0x87: {  	[sflag:s24] =	ssyncadd.s32 $0xFFFFC000  }
0x88: {  	[tilespmem:s25], [sflag:$0x2] =	stream.indirect.gather [hbm4b:s4+s15], $0x80, s28, s15, $0xb8;
	[tilespmem:$0x1EC00] =	vst v63  }
0x89: {  	_ = 	snop  }
0x8a: {  	[spmem:s1] =	stream.indirect.scatter.add.f32 [tilespmem:s17], [sflag:$0x3], $0x80, s29, s15, $0xb8;
	[tilespmem:$0x1EC00] =	vst v63  }
0x8b: {  	_ =	swait.ge [sflag:s18], $0x4000  }
0x8c: {  	[sflag:s18] =	ssyncset.done $0x0  }
0x8d: {  	[sflag:s18] =	ssyncadd.s32 $0xFFFFC000  }
0x8e: {  	_ =	swait.ge [sflag:s26], $0x4000  }
0x8f: {  	[sflag:s26] =	ssyncset.done $0x0  }
0x90: {  	[sflag:s26] =	ssyncadd.s32 $0xFFFFC000  }
0x91: {  	[tilespmem:s17], [sflag:$0x1] =	stream.indirect.gather [hbm4b:s4+s15], $0x80, s28, s15, $0xb8;
	[tilespmem:$0x1EC00] =	vst v63  }
0x92: {  	_ = 	snop  }
0x93: {  	[spmem:s1] =	stream.indirect.scatter.add.f32 [tilespmem:s25], [sflag:$0x3], $0x80, s30, s15, $0xb8;
	[tilespmem:$0x1EC00] =	vst v63  }
0x94: {  	_ =	swait.ge [sflag:s18], $0x4000  }
0x95: {  	[sflag:s18] =	ssyncset.done $0x0  }
0x96: {  	[sflag:s18] =	ssyncadd.s32 $0xFFFFC000  }
0x97: {  	_ =	swait.ge [sflag:s24], $0x4000  }
0x98: {  	[sflag:s24] =	ssyncset.done $0x0  }
0x99: {  	s0 =	simm.s32 $0x0;
	[sflag:s24] =	ssyncadd.s32 $0xFFFFC000  }
0x9a: {  	[tilespmem:s0], [sflag:$0x3] =	stream.linear.gather [hbm4b:s13+s0], $0x1400, $0x38;
	[tilespmem:$0x1EC00] =	vst v63  }
0x9b: {  	_ =	swait.ge [sflag:s18], $0x1400  }
0x9c: {  	[sflag:s18] =	ssyncset.done $0x0  }
0x9d: {  	[sflag:s18] =	ssyncadd.s32 $0xFFFFEC00  }
0x9e: {  	[tilespmem:s23], [sflag:$0x3] =	stream.linear.gather [hbm4b:s14+s0], $0x1400, $0x38;
	[tilespmem:$0x1EC00] =	vst v63  }
0x9f: {  	_ =	swait.ge [sflag:s18], $0x1400  }
0xa0: {  	[sflag:s18] =	ssyncset.done $0x0  }
0xa1: {  	[sflag:s18] =	ssyncadd.s32 $0xFFFFEC00  }
0xa2: {  	[tilespmem:s17], [sflag:$0x1] =	stream.indirect.gather [hbm4b:s4+s15], $0x80, s0, s15, $0xb8;
	[tilespmem:$0x1EC00] =	vst v63  }
0xa3: {  	_ =	swait.ge [sflag:s24], $0x4000  }
0xa4: {  	[sflag:s24] =	ssyncset.done $0x0  }
0xa5: {  	s2 =	simm.s32 $0x80;
	[sflag:s24] =	ssyncadd.s32 $0xFFFFC000  }
0xa6: {  	[tilespmem:s25], [sflag:$0x2] =	stream.indirect.gather [hbm4b:s4+s15], $0x80, s2, s15, $0xb8;
	[tilespmem:$0x1EC00] =	vst v63  }
0xa7: {  	s5 =	simm.s32 $0x1400  }
0xa8: {  	[spmem:s1] =	stream.indirect.scatter.add.f32 [tilespmem:s17], [sflag:$0x3], $0x80, s5, s15, $0xb8;
	[tilespmem:$0x1EC00] =	vst v63  }
0xa9: {  	_ =	swait.ge [sflag:s18], $0x4000  }
0xaa: {  	[sflag:s18] =	ssyncset.done $0x0  }
0xab: {  	[sflag:s18] =	ssyncadd.s32 $0xFFFFC000  }
0xac: {  	_ =	swait.ge [sflag:s26], $0x4000  }
0xad: {  	[sflag:s26] =	ssyncset.done $0x0  }
0xae: {  	s2 =	simm.s32 $0x100;
	[sflag:s26] =	ssyncadd.s32 $0xFFFFC000  }
0xaf: {  	[tilespmem:s17], [sflag:$0x1] =	stream.indirect.gather [hbm4b:s4+s15], $0x80, s2, s15, $0xb8;
	[tilespmem:$0x1EC00] =	vst v63  }
0xb0: {  	s5 =	simm.s32 $0x1480  }
0xb1: {  	[spmem:s1] =	stream.indirect.scatter.add.f32 [tilespmem:s25], [sflag:$0x3], $0x80, s5, s15, $0xb8;
	[tilespmem:$0x1EC00] =	vst v63  }
0xb2: {  	_ =	swait.ge [sflag:s18], $0x4000  }
0xb3: {  	s0 =	simm.s32 $0x400;
	[sflag:s18] =	ssyncset.done $0x0  }
.LBB2_8:
0xb4: {  	p0 =	sne.s32 s0, $0x4800  }
0xb5: {  	[sflag:s18] =	ssyncadd.s32 $0xFFFFC000;
	s2 =	smov.u32 s0;
	s0 =	sadd.s32 $0x400, s0  }
0xb6: {  	_ = 	snop  }
0xb7: {  	_ =	swait.ge [sflag:s24], $0x4000  }
0xb8: {  	s2 =	sshra.s32 s2, $0x2;
	[sflag:s24] =	ssyncset.done $0x0  }
0xb9: {  	s5 =	sadd.s32 $0x80, s2;
	[sflag:s24] =	ssyncadd.s32 $0xFFFFC000  }
0xba: {  	[tilespmem:s25], [sflag:$0x2] =	stream.indirect.gather [hbm4b:s4+s15], $0x80, s5, s15, $0xb8;
	[tilespmem:$0x1EC00] =	vst v63  }
0xbb: {  	s5 =	sadd.s32 $0x1400, s2  }
0xbc: {  	[spmem:s1] =	stream.indirect.scatter.add.f32 [tilespmem:s17], [sflag:$0x3], $0x80, s5, s15, $0xb8;
	[tilespmem:$0x1EC00] =	vst v63  }
0xbd: {  	_ =	swait.ge [sflag:s18], $0x4000  }
0xbe: {  	[sflag:s18] =	ssyncset.done $0x0  }
0xbf: {  	[sflag:s18] =	ssyncadd.s32 $0xFFFFC000  }
0xc0: {  	_ =	swait.ge [sflag:s26], $0x4000  }
0xc1: {  	[sflag:s26] =	ssyncset.done $0x0  }
0xc2: {  	s5 =	sadd.s32 $0x100, s2;
	[sflag:s26] =	ssyncadd.s32 $0xFFFFC000  }
0xc3: {  	[tilespmem:s17], [sflag:$0x1] =	stream.indirect.gather [hbm4b:s4+s15], $0x80, s5, s15, $0xb8;
	[tilespmem:$0x1EC00] =	vst v63  }
.Ltmp3:
0xc4: {  	_ = 	snop;
	(pc) =	sbr.rel @p0 .LBB2_8-.Ltmp3, $4  }
0xc5: {  	s2 =	sadd.s32 $0x1480, s2  }
0xc6: {  	[spmem:s1] =	stream.indirect.scatter.add.f32 [tilespmem:s25], [sflag:$0x3], $0x80, s2, s15, $0xb8;
	[tilespmem:$0x1EC00] =	vst v63  }
0xc7: {  	_ =	swait.ge [sflag:s18], $0x4000  }
0xc8: {  	[sflag:s18] =	ssyncset.done $0x0  }
0xc9: {  	[sflag:s18] =	ssyncadd.s32 $0xFFFFC000  }
0xca: {  	_ =	swait.ge [sflag:s24], $0x4000  }
0xcb: {  	[sflag:s24] =	ssyncset.done $0x0  }
0xcc: {  	[sflag:s24] =	ssyncadd.s32 $0xFFFFC000  }
0xcd: {  	[tilespmem:s25], [sflag:$0x2] =	stream.indirect.gather [hbm4b:s4+s15], $0x80, s28, s15, $0xb8;
	[tilespmem:$0x1EC00] =	vst v63  }
0xce: {  	_ = 	snop  }
0xcf: {  	[spmem:s1] =	stream.indirect.scatter.add.f32 [tilespmem:s17], [sflag:$0x3], $0x80, s29, s15, $0xb8;
	[tilespmem:$0x1EC00] =	vst v63  }
0xd0: {  	_ =	swait.ge [sflag:s18], $0x4000  }
0xd1: {  	[sflag:s18] =	ssyncset.done $0x0  }
0xd2: {  	[sflag:s18] =	ssyncadd.s32 $0xFFFFC000  }
0xd3: {  	_ =	swait.ge [sflag:s26], $0x4000  }
0xd4: {  	[sflag:s26] =	ssyncset.done $0x0  }
0xd5: {  	[sflag:s26] =	ssyncadd.s32 $0xFFFFC000  }
0xd6: {  	[tilespmem:s17], [sflag:$0x1] =	stream.indirect.gather [hbm4b:s4+s15], $0x80, s28, s15, $0xb8;
	[tilespmem:$0x1EC00] =	vst v63  }
0xd7: {  	_ = 	snop  }
0xd8: {  	[spmem:s1] =	stream.indirect.scatter.add.f32 [tilespmem:s25], [sflag:$0x3], $0x80, s30, s15, $0xb8;
	[tilespmem:$0x1EC00] =	vst v63  }
0xd9: {  	_ =	swait.ge [sflag:s18], $0x4000  }
0xda: {  	[sflag:s18] =	ssyncset.done $0x0  }
0xdb: {  	[sflag:s18] =	ssyncadd.s32 $0xFFFFC000  }
0xdc: {  	_ =	swait.ge [sflag:s24], $0x4000  }
0xdd: {  	[sflag:s24] =	ssyncset.done $0x0  }
0xde: {  	[sflag:s24] =	ssyncadd.s32 $0xFFFFC000  }
0xdf: {  	[bflag:$0x0] =	sbarrier.arrive $0xFFFF  }
0xe0: {  	[tilespmem:s17], [sflag:$0x3] =	stream.indirect.gather [spmem:s1], $0x80, s16, s15, $0xb8;
	[tilespmem:$0x1EC00] =	vst v63  }
0xe1: {  	_ =	swait.ge [sflag:s18], $0x4000  }
0xe2: {  	[sflag:s18] =	ssyncset.done $0x0  }
0xe3: {  	s0 =	rddreg [dreg:$0x4];
	[sflag:s18] =	ssyncadd.s32 $0xFFFFC000  }
0xe4: {  	[hbm4b:s0+s3] =	stream.linear.scatter [tilespmem:s17], [sflag:$0x3], $0x4000, $0x38;
	[tilespmem:$0x1EC00] =	vst v63  }
0xe5: {  	_ =	swait.ge [sflag:s18], $0x4000  }
0xe6: {  	[sflag:s18] =	ssyncset.done $0x0  }
0xe7: {  	[sflag:s18] =	ssyncadd.s32 $0xFFFFC000  }
0xe8: {  	[tilespmem:s17], [sflag:$0x3] =	stream.indirect.gather [spmem:s1], $0x80, s19, s15, $0xb8;
	[tilespmem:$0x1EC00] =	vst v63  }
0xe9: {  	_ =	swait.ge [sflag:s18], $0x4000  }
0xea: {  	[sflag:s18] =	ssyncset.done $0x0  }
0xeb: {  	[sflag:s18] =	ssyncadd.s32 $0xFFFFC000  }
0xec: {  	[hbm4b:s6+s3] =	stream.linear.scatter [tilespmem:s17], [sflag:$0x3], $0x4000, $0x38;
	[tilespmem:$0x1EC00] =	vst v63  }
0xed: {  	_ =	swait.ge [sflag:s18], $0x4000  }
0xee: {  	[sflag:s18] =	ssyncset.done $0x0  }
0xef: {  	[sflag:s18] =	ssyncadd.s32 $0xFFFFC000  }
0xf0: {  	[tilespmem:s17], [sflag:$0x3] =	stream.indirect.gather [spmem:s1], $0x80, s20, s15, $0xb8;
	[tilespmem:$0x1EC00] =	vst v63  }
0xf1: {  	_ =	swait.ge [sflag:s18], $0x4000  }
0xf2: {  	[sflag:s18] =	ssyncset.done $0x0  }
0xf3: {  	[sflag:s18] =	ssyncadd.s32 $0xFFFFC000  }
0xf4: {  	[hbm4b:s7+s3] =	stream.linear.scatter [tilespmem:s17], [sflag:$0x3], $0x4000, $0x38;
	[tilespmem:$0x1EC00] =	vst v63  }
0xf5: {  	_ =	swait.ge [sflag:s18], $0x4000  }
0xf6: {  	[sflag:s18] =	ssyncset.done $0x0  }
0xf7: {  	[sflag:s18] =	ssyncadd.s32 $0xFFFFC000  }
0xf8: {  	[tilespmem:s17], [sflag:$0x3] =	stream.indirect.gather [spmem:s1], $0x80, s21, s15, $0xb8;
	[tilespmem:$0x1EC00] =	vst v63  }
0xf9: {  	_ =	swait.ge [sflag:s18], $0x4000  }
0xfa: {  	[sflag:s18] =	ssyncset.done $0x0  }
0xfb: {  	[sflag:s18] =	ssyncadd.s32 $0xFFFFC000  }
0xfc: {  	[hbm4b:s8+s3] =	stream.linear.scatter [tilespmem:s17], [sflag:$0x3], $0x4000, $0x38;
	[tilespmem:$0x1EC00] =	vst v63  }
0xfd: {  	_ =	swait.ge [sflag:s18], $0x4000  }
0xfe: {  	[sflag:s18] =	ssyncset.done $0x0  }
0xff: {  	[sflag:s18] =	ssyncadd.s32 $0xFFFFC000  }
0x100: {  	[tilespmem:s17], [sflag:$0x3] =	stream.indirect.gather [spmem:s1], $0x80, s22, s15, $0xb8;
	[tilespmem:$0x1EC00] =	vst v63  }
0x101: {  	s31 =	sadd.s32 $0x1, s31;
	_ =	swait.ge [sflag:s18], $0x4000  }
0x102: {  	p0 =	sne.s32 s31, s10;
	[sflag:s18] =	ssyncset.done $0x0  }
.Ltmp4:
0x103: {  	[sflag:s18] =	ssyncadd.s32 $0xFFFFC000;
	(pc) =	sbr.rel @p0 .LBB2_1-.Ltmp4, $4  }
0x104: {  	[hbm4b:s9+s3] =	stream.linear.scatter [tilespmem:s17], [sflag:$0x3], $0x4000, $0x38;
	[tilespmem:$0x1EC00] =	vst v63  }
0x105: {  	_ =	swait.ge [sflag:s18], $0x4000  }
0x106: {  	[sflag:s18] =	ssyncset.done $0x0  }
0x107: {  	[sflag:s18] =	ssyncadd.s32 $0xFFFFC000  }
0x108: {  	_ =	sfence.sel $0x180000  }
0x109: {  	[bflag:$0x0] =	sbarrier.arrive $0xFFFF  }
0x10a: {  	_ =	strace $0x9000004A  }
0x10b: {  	s0 =	stileid.u32;
	[bflag:$0x2] =	sbarrier.arrive $0xFFFF  }
0x10c: {  	p0 =	sne.s32 s0, $0x0;
	s0 =	rddreg [dreg:$0x3]  }
0x10d: {  	s0 =	sadd.s32 @!p0 $0x100000, s0  }
0x10e: {  	[sflag:s0] =	ssyncadd.tile.s32 @!p0 $0x1;
	_ =	shalt  }
.Lfunc_end2:
_tile_overlayer_lowered:
.L_overlay_start_2:
0x10f: {  	(tag) =	ssettag $0x2  }
0x110: {  	s0 =	rddreg [dreg:$0x0];
	s2 =	stileid.u32  }
0x111: {  	s1 =	rddreg [dreg:$0x1];
	p0 =	sne.s32 s2, $0x0  }
0x112: {  	s3 =	rddreg [dreg:$0x2];
	[bflag:$0x3] =	sbarrier.arrive $0xFFFF;
	s2 =	simm.s32 @!p0 $0x1C03  }
0x113: {  	[timem:s3], [sflag:s2] =	dma.local @!p0 [hbm:s0], s1  }
0x114: {  	s0 =	simm.s32 @!p0 $0x3  }
0x115: {  	_ =	swait.ge @!p0 [sflag:s0], s1  }
0x116: {  	s1 =	ssub.s32 @!p0 $0x0, s1;
	[sflag:s0] =	ssyncset.done @!p0 $0x0  }
0x117: {  	[sflag:s0] =	ssyncadd.s32 @!p0 s1  }
0x118: {  	[bflag:$0x3] =	sbarrier.arrive $0xFFFF  }
0x119: {  	_ =	shalt  }

</sc_bundles>
